<compile_context>
chip_gen: v7x
topology: tpu7x:2x2x1
jax: 0.10.2.dev20260603
libtpu: 0.0.44.dev20260713+nightly
codegen_flags: <defaults>
</compile_context>

<pallas_src>
import functools

import jax
import jax.numpy as jnp
from jax import lax
from jax.experimental import pallas as pl
from jax.experimental.pallas import tpu as pltpu
from jax.experimental.pallas import tpu_sc as plsc

_NC = 2
_NS = 16
_NW = _NC * _NS

_OUT_DIM = 64
_HIST = 50
_CHUNK = 128
_K = 4


def _make_gather(n_rows: int):
    assert n_rows % (_NW * _CHUNK * 2 * _K) == 0
    chunks_per_w = n_rows // (_NW * _CHUNK)
    n_pairs = chunks_per_w // (2 * _K)

    mesh = plsc.VectorSubcoreMesh(core_axis_name="c", subcore_axis_name="s")
    nbuf = 2 * _K
    scratch = [pltpu.VMEM((chunks_per_w, _CHUNK), jnp.int32)]
    scratch += [pltpu.VMEM((_CHUNK, _OUT_DIM), jnp.float32)] * nbuf
    scratch += [pltpu.SemaphoreType.DMA] * (2 * nbuf)

    @functools.partial(
        pl.kernel,
        out_type=jax.ShapeDtypeStruct((n_rows, _OUT_DIM), jnp.float32),
        mesh=mesh,
        scratch_types=scratch,
        compiler_params=pltpu.CompilerParams(use_tc_tiling_on_sc=False),
    )
    def gather(table_hbm, idx_hbm, out_hbm, idx_v, *bufs):
        rows = bufs[:nbuf]
        gsem = bufs[nbuf : 2 * nbuf]
        ssem = bufs[2 * nbuf :]
        wid = lax.axis_index("s") * _NC + lax.axis_index("c")
        cbase = wid * chunks_per_w
        pltpu.sync_copy(idx_hbm.at[pl.ds(cbase, chunks_per_w)], idx_v)

        def gather_copy(j, b):
            return pltpu.make_async_copy(
                table_hbm.at[idx_v.at[j]], rows[b], gsem[b]
            )

        def store_copy(j, b):
            return pltpu.make_async_copy(
                rows[b], out_hbm.at[pl.ds((cbase + j) * _CHUNK, _CHUNK)], ssem[b]
            )

        for s in range(_K):
            gather_copy(s, s).start()

        def pair(t, carry):
            g0 = 2 * t
            for s in range(_K):
                b = _K + s

                @pl.when(t > 0)
                def _():
                    store_copy((g0 - 1) * _K + s, b).wait()

                gather_copy((g0 + 1) * _K + s, b).start()
            for s in range(_K):
                gather_copy(g0 * _K + s, s).wait()
                store_copy(g0 * _K + s, s).start()
            for s in range(_K):
                store_copy(g0 * _K + s, s).wait()

                @pl.when(t < n_pairs - 1)
                def _():
                    gather_copy((g0 + 2) * _K + s, s).start()
            for s in range(_K):
                b = _K + s
                gather_copy((g0 + 1) * _K + s, b).wait()
                store_copy((g0 + 1) * _K + s, b).start()
            return carry

        lax.fori_loop(0, n_pairs, pair, 0)

        for s in range(_K):
            store_copy((2 * n_pairs - 1) * _K + s, _K + s).wait()

    return gather


def _relayout_body(flat_ref, out_ref):
    x = flat_ref[...]
    y = jnp.swapaxes(x, 0, 1)
    out_ref[...] = y.reshape(_HIST, 8, 1, 8, _CHUNK)


def _make_relayout(batch: int):
    nblk = batch // _CHUNK
    return pl.pallas_call(
        _relayout_body,
        grid=(nblk,),
        in_specs=[
            pl.BlockSpec((_CHUNK, _HIST * _OUT_DIM), lambda i: (i, 0))
        ],
        out_specs=pl.BlockSpec(
            (_HIST, 8, 1, 8, _CHUNK), lambda i: (0, 0, i, 0, 0)
        ),
        out_shape=jax.ShapeDtypeStruct(
            (_HIST, 8, nblk, 8, _CHUNK), jnp.float32
        ),
    )


def kernel(input_ids, table):
    batch, hist = input_ids.shape
    n = batch * hist
    idx2d = input_ids.reshape(n // _CHUNK, _CHUNK).astype(jnp.int32)
    flat = _make_gather(n)(table, idx2d)
    flat2 = flat.reshape(batch, hist * _OUT_DIM)
    out5 = _make_relayout(batch)(flat2)
    return out5.transpose(2, 4, 0, 1, 3).reshape(batch, hist, _OUT_DIM)

# --- scband reference (transcript-rebuilt; emitter-appended) ---
"""Pipeline reference for scband-lookup-table-7687991460381 (READ-ONLY COPY).

The authoritative reference and input builder live on the scoring server;
editing this copy changes nothing except your own understanding.
"""

import jax, jax.numpy as jnp
import numpy as np

VOCAB = 1000000
OUT_DIM = 64
BATCH = 16384
HIST = 50

def setup_inputs(seed: int = 0) -> dict:
    key = jax.random.key(seed)
    k_idx, k_tab = jax.random.split(key)
    input_ids = jax.random.randint(k_idx, (BATCH, HIST), 0, VOCAB, dtype=jnp.int64) if jax.config.jax_enable_x64 else jax.random.randint(k_idx, (BATCH, HIST), 0, VOCAB, dtype=jnp.int32)
    table = jax.random.normal(k_tab, (VOCAB, OUT_DIM), dtype=jnp.float32) * 0.02
    return {"input_ids": input_ids, "table": table}

def reference(input_ids, table):
    # Faithful to LookupTable.forward: self.table[input_ids]
    return jnp.take(table, input_ids, axis=0)

if __name__ == "__main__":
    import jax
    _d = setup_inputs()
    print(jax.jit(kernel)(*tuple(_d.values())))

</pallas_src>

<mosaic_0001>
#map = affine_map<(d0, d1) -> (0, 0)>
module attributes {stable_mosaic.version = 14 : i64} {
  func.func @gather(%arg0: i32, %arg1: i32, %arg2: memref<1000000x64xf32, #tpu.memory_space<hbm>>, %arg3: memref<6400x128xi32, #tpu.memory_space<hbm>>, %arg4: memref<819200x64xf32, #tpu.memory_space<hbm>>, %arg5: memref<200x128xi32, #tpu.memory_space<vmem>>, %arg6: memref<128x64xf32, #tpu.memory_space<vmem>>, %arg7: memref<128x64xf32, #tpu.memory_space<vmem>>, %arg8: memref<128x64xf32, #tpu.memory_space<vmem>>, %arg9: memref<128x64xf32, #tpu.memory_space<vmem>>, %arg10: memref<128x64xf32, #tpu.memory_space<vmem>>, %arg11: memref<128x64xf32, #tpu.memory_space<vmem>>, %arg12: memref<128x64xf32, #tpu.memory_space<vmem>>, %arg13: memref<128x64xf32, #tpu.memory_space<vmem>>, %arg14: memref<!tpu.dma_semaphore, #tpu.memory_space<semaphore_mem>>, %arg15: memref<!tpu.dma_semaphore, #tpu.memory_space<semaphore_mem>>, %arg16: memref<!tpu.dma_semaphore, #tpu.memory_space<semaphore_mem>>, %arg17: memref<!tpu.dma_semaphore, #tpu.memory_space<semaphore_mem>>, %arg18: memref<!tpu.dma_semaphore, #tpu.memory_space<semaphore_mem>>, %arg19: memref<!tpu.dma_semaphore, #tpu.memory_space<semaphore_mem>>, %arg20: memref<!tpu.dma_semaphore, #tpu.memory_space<semaphore_mem>>, %arg21: memref<!tpu.dma_semaphore, #tpu.memory_space<semaphore_mem>>, %arg22: memref<!tpu.dma_semaphore, #tpu.memory_space<semaphore_mem>>, %arg23: memref<!tpu.dma_semaphore, #tpu.memory_space<semaphore_mem>>, %arg24: memref<!tpu.dma_semaphore, #tpu.memory_space<semaphore_mem>>, %arg25: memref<!tpu.dma_semaphore, #tpu.memory_space<semaphore_mem>>, %arg26: memref<!tpu.dma_semaphore, #tpu.memory_space<semaphore_mem>>, %arg27: memref<!tpu.dma_semaphore, #tpu.memory_space<semaphore_mem>>, %arg28: memref<!tpu.dma_semaphore, #tpu.memory_space<semaphore_mem>>, %arg29: memref<!tpu.dma_semaphore, #tpu.memory_space<semaphore_mem>>) attributes {dimension_semantics = [#tpu.dimension_semantics<core_parallel>, #tpu.dimension_semantics<subcore_parallel>], iteration_bounds = array<i64: 2, 16>, scalar_prefetch = 0 : i64, scratch_operands = 25 : i64, tpu.core_type = #tpu.core_type<sc_vector_subcore>, window_params = [{transform_indices = #map}, {transform_indices = #map}, {transform_indices = #map}]} {
    %mul3A = arith.constant 2 : i32
    %mul3A_0 = arith.muli %arg1, %mul3A : i32
    %add3A = arith.addi %mul3A_0, %arg0 : i32
    %mul3A_1 = arith.constant 200 : i32
    %mul3A_2 = arith.muli %add3A, %mul3A_1 : i32
    "tpu.region"() ({
      %run_scoped3A = tpu.sem_alloc : memref<!tpu.dma_semaphore, #tpu.memory_space<semaphore_mem>>
      %dma_start3A_66 = arith.constant 0 : i32
      %dma_start3A_67 = tpu.memref_slice %arg3[%mul3A_2, %dma_start3A_66] : memref<6400x128xi32, #tpu.memory_space<hbm>> -> memref<200x128xi32, #tpu.memory_space<hbm>>
      %dma_start3A_68 = arith.constant 0 : i32
      %dma_start3A_69 = tpu.memref_slice %arg3[%mul3A_2, %dma_start3A_68] : memref<6400x128xi32, #tpu.memory_space<hbm>> -> memref<200x128xi32, #tpu.memory_space<hbm>>
      tpu.enqueue_dma source(%dma_start3A_69 : memref<200x128xi32, #tpu.memory_space<hbm>>) target(%arg5 : memref<200x128xi32, #tpu.memory_space<vmem>>) target_semaphore(%run_scoped3A : memref<!tpu.dma_semaphore, #tpu.memory_space<semaphore_mem>>)
      %dma_wait3A_70 = arith.constant 0 : i32
      %dma_wait3A_71 = tpu.memref_slice %arg3[%mul3A_2, %dma_wait3A_70] : memref<6400x128xi32, #tpu.memory_space<hbm>> -> memref<200x128xi32, #tpu.memory_space<hbm>>
      %dma_wait3A_72 = arith.constant 0 : i32
      %dma_wait3A_73 = tpu.memref_slice %arg3[%mul3A_2, %dma_wait3A_72] : memref<6400x128xi32, #tpu.memory_space<hbm>> -> memref<200x128xi32, #tpu.memory_space<hbm>>
      tpu.wait_dma2 semaphore(%run_scoped3A : memref<!tpu.dma_semaphore, #tpu.memory_space<semaphore_mem>>) src(%dma_wait3A_73 : memref<200x128xi32, #tpu.memory_space<hbm>>) dst(%arg5 : memref<200x128xi32, #tpu.memory_space<vmem>>)
      tpu.yield
    }) : () -> ()
    %dma_start3A = arith.constant 0 : i32
    %dma_start3A_3 = arith.constant 0 : i32
    %dma_start3A_4 = tpu.memref_slice %arg5[%dma_start3A, %dma_start3A_3] : memref<200x128xi32, #tpu.memory_space<vmem>> -> memref<1x128xi32, #tpu.memory_space<vmem>>
    %dma_start3A_5 = tpu.memref_squeeze %dma_start3A_4 : memref<1x128xi32, #tpu.memory_space<vmem>> -> memref<128xi32, #tpu.memory_space<vmem>>
    %dma_start3A_6 = arith.constant 0 : i32
    %dma_start3A_7 = arith.constant 0 : i32
    %dma_start3A_8 = tpu.memref_slice %arg2[%dma_start3A_6, %dma_start3A_7] : memref<1000000x64xf32, #tpu.memory_space<hbm>> -> memref<1000000x64xf32, #tpu.memory_space<hbm>>
    tpu.enqueue_indirect_dma source(%dma_start3A_8 : memref<1000000x64xf32, #tpu.memory_space<hbm>>) target(%arg6 : memref<128x64xf32, #tpu.memory_space<vmem>>) offsets(%dma_start3A_5 : memref<128xi32, #tpu.memory_space<vmem>>) semaphore(%arg14 : memref<!tpu.dma_semaphore, #tpu.memory_space<semaphore_mem>>)
    %dma_start3A_9 = arith.constant 1 : i32
    %dma_start3A_10 = arith.constant 0 : i32
    %dma_start3A_11 = tpu.memref_slice %arg5[%dma_start3A_9, %dma_start3A_10] : memref<200x128xi32, #tpu.memory_space<vmem>> -> memref<1x128xi32, #tpu.memory_space<vmem>>
    %dma_start3A_12 = tpu.memref_squeeze %dma_start3A_11 : memref<1x128xi32, #tpu.memory_space<vmem>> -> memref<128xi32, #tpu.memory_space<vmem>>
    %dma_start3A_13 = arith.constant 0 : i32
    %dma_start3A_14 = arith.constant 0 : i32
    %dma_start3A_15 = tpu.memref_slice %arg2[%dma_start3A_13, %dma_start3A_14] : memref<1000000x64xf32, #tpu.memory_space<hbm>> -> memref<1000000x64xf32, #tpu.memory_space<hbm>>
    tpu.enqueue_indirect_dma source(%dma_start3A_15 : memref<1000000x64xf32, #tpu.memory_space<hbm>>) target(%arg7 : memref<128x64xf32, #tpu.memory_space<vmem>>) offsets(%dma_start3A_12 : memref<128xi32, #tpu.memory_space<vmem>>) semaphore(%arg15 : memref<!tpu.dma_semaphore, #tpu.memory_space<semaphore_mem>>)
    %dma_start3A_16 = arith.constant 2 : i32
    %dma_start3A_17 = arith.constant 0 : i32
    %dma_start3A_18 = tpu.memref_slice %arg5[%dma_start3A_16, %dma_start3A_17] : memref<200x128xi32, #tpu.memory_space<vmem>> -> memref<1x128xi32, #tpu.memory_space<vmem>>
    %dma_start3A_19 = tpu.memref_squeeze %dma_start3A_18 : memref<1x128xi32, #tpu.memory_space<vmem>> -> memref<128xi32, #tpu.memory_space<vmem>>
    %dma_start3A_20 = arith.constant 0 : i32
    %dma_start3A_21 = arith.constant 0 : i32
    %dma_start3A_22 = tpu.memref_slice %arg2[%dma_start3A_20, %dma_start3A_21] : memref<1000000x64xf32, #tpu.memory_space<hbm>> -> memref<1000000x64xf32, #tpu.memory_space<hbm>>
    tpu.enqueue_indirect_dma source(%dma_start3A_22 : memref<1000000x64xf32, #tpu.memory_space<hbm>>) target(%arg8 : memref<128x64xf32, #tpu.memory_space<vmem>>) offsets(%dma_start3A_19 : memref<128xi32, #tpu.memory_space<vmem>>) semaphore(%arg16 : memref<!tpu.dma_semaphore, #tpu.memory_space<semaphore_mem>>)
    %dma_start3A_23 = arith.constant 3 : i32
    %dma_start3A_24 = arith.constant 0 : i32
    %dma_start3A_25 = tpu.memref_slice %arg5[%dma_start3A_23, %dma_start3A_24] : memref<200x128xi32, #tpu.memory_space<vmem>> -> memref<1x128xi32, #tpu.memory_space<vmem>>
    %dma_start3A_26 = tpu.memref_squeeze %dma_start3A_25 : memref<1x128xi32, #tpu.memory_space<vmem>> -> memref<128xi32, #tpu.memory_space<vmem>>
    %dma_start3A_27 = arith.constant 0 : i32
    %dma_start3A_28 = arith.constant 0 : i32
    %dma_start3A_29 = tpu.memref_slice %arg2[%dma_start3A_27, %dma_start3A_28] : memref<1000000x64xf32, #tpu.memory_space<hbm>> -> memref<1000000x64xf32, #tpu.memory_space<hbm>>
    tpu.enqueue_indirect_dma source(%dma_start3A_29 : memref<1000000x64xf32, #tpu.memory_space<hbm>>) target(%arg9 : memref<128x64xf32, #tpu.memory_space<vmem>>) offsets(%dma_start3A_26 : memref<128xi32, #tpu.memory_space<vmem>>) semaphore(%arg17 : memref<!tpu.dma_semaphore, #tpu.memory_space<semaphore_mem>>)
    %scan3A = arith.constant 0 : i32
    %scan3A_30 = arith.constant 0 : i32
    %scan3A_31 = arith.constant 25 : i32
    %scan3A_32 = arith.addi %scan3A_30, %scan3A_31 : i32
    %scan3A_33 = arith.constant 1 : i32
    scf.for %scan3A_66 = %scan3A_30 to %scan3A_32 step %scan3A_33  : i32 {
      %mul3A_67 = arith.constant 2 : i32
      %mul3A_68 = arith.muli %mul3A_67, %scan3A_66 : i32
      %gt3A = arith.constant 0 : i32
      %gt3A_69 = arith.cmpi sgt, %scan3A_66, %gt3A : i32
      %convert_element_type3A = arith.extui %gt3A_69 : i1 to i32
      %cond3A = arith.constant 0 : i32
      %cond3A_70 = arith.cmpi ne, %convert_element_type3A, %cond3A : i32
      scf.if %cond3A_70 {
        %sub3A = arith.constant 1 : i32
        %sub3A_381 = arith.subi %mul3A_68, %sub3A : i32
        %mul3A_382 = arith.constant 4 : i32
        %mul3A_383 = arith.muli %sub3A_381, %mul3A_382 : i32
        %add3A_384 = arith.constant 0 : i32
        %add3A_385 = arith.addi %mul3A_383, %add3A_384 : i32
        %add3A_386 = arith.addi %mul3A_2, %add3A_385 : i32
        %mul3A_387 = arith.constant 128 : i32
        %mul3A_388 = arith.muli %add3A_386, %mul3A_387 : i32
        %dma_wait3A_389 = arith.constant 0 : i32
        %dma_wait3A_390 = tpu.memref_slice %arg4[%mul3A_388, %dma_wait3A_389] : memref<819200x64xf32, #tpu.memory_space<hbm>> -> memref<128x64xf32, #tpu.memory_space<hbm>>
        %dma_wait3A_391 = arith.constant 0 : i32
        %dma_wait3A_392 = tpu.memref_slice %arg4[%mul3A_388, %dma_wait3A_391] : memref<819200x64xf32, #tpu.memory_space<hbm>> -> memref<128x64xf32, #tpu.memory_space<hbm>>
        tpu.wait_dma2 semaphore(%arg26 : memref<!tpu.dma_semaphore, #tpu.memory_space<semaphore_mem>>) src(%arg10 : memref<128x64xf32, #tpu.memory_space<vmem>>) dst(%dma_wait3A_392 : memref<128x64xf32, #tpu.memory_space<hbm>>)
      } else {
      }
      %add3A_71 = arith.constant 1 : i32
      %add3A_72 = arith.addi %mul3A_68, %add3A_71 : i32
      %mul3A_73 = arith.constant 4 : i32
      %mul3A_74 = arith.muli %add3A_72, %mul3A_73 : i32
      %add3A_75 = arith.constant 0 : i32
      %add3A_76 = arith.addi %mul3A_74, %add3A_75 : i32
      %dma_start3A_77 = arith.constant 0 : i32
      %dma_start3A_78 = tpu.memref_slice %arg5[%add3A_76, %dma_start3A_77] : memref<200x128xi32, #tpu.memory_space<vmem>> -> memref<1x128xi32, #tpu.memory_space<vmem>>
      %dma_start3A_79 = tpu.memref_squeeze %dma_start3A_78 : memref<1x128xi32, #tpu.memory_space<vmem>> -> memref<128xi32, #tpu.memory_space<vmem>>
      %dma_start3A_80 = arith.constant 0 : i32
      %dma_start3A_81 = arith.constant 0 : i32
      %dma_start3A_82 = tpu.memref_slice %arg2[%dma_start3A_80, %dma_start3A_81] : memref<1000000x64xf32, #tpu.memory_space<hbm>> -> memref<1000000x64xf32, #tpu.memory_space<hbm>>
      tpu.enqueue_indirect_dma source(%dma_start3A_82 : memref<1000000x64xf32, #tpu.memory_space<hbm>>) target(%arg10 : memref<128x64xf32, #tpu.memory_space<vmem>>) offsets(%dma_start3A_79 : memref<128xi32, #tpu.memory_space<vmem>>) semaphore(%arg18 : memref<!tpu.dma_semaphore, #tpu.memory_space<semaphore_mem>>)
      %gt3A_83 = arith.constant 0 : i32
      %gt3A_84 = arith.cmpi sgt, %scan3A_66, %gt3A_83 : i32
      %convert_element_type3A_85 = arith.extui %gt3A_84 : i1 to i32
      %cond3A_86 = arith.constant 0 : i32
      %cond3A_87 = arith.cmpi ne, %convert_element_type3A_85, %cond3A_86 : i32
      scf.if %cond3A_87 {
        %sub3A = arith.constant 1 : i32
        %sub3A_381 = arith.subi %mul3A_68, %sub3A : i32
        %mul3A_382 = arith.constant 4 : i32
        %mul3A_383 = arith.muli %sub3A_381, %mul3A_382 : i32
        %add3A_384 = arith.constant 1 : i32
        %add3A_385 = arith.addi %mul3A_383, %add3A_384 : i32
        %add3A_386 = arith.addi %mul3A_2, %add3A_385 : i32
        %mul3A_387 = arith.constant 128 : i32
        %mul3A_388 = arith.muli %add3A_386, %mul3A_387 : i32
        %dma_wait3A_389 = arith.constant 0 : i32
        %dma_wait3A_390 = tpu.memref_slice %arg4[%mul3A_388, %dma_wait3A_389] : memref<819200x64xf32, #tpu.memory_space<hbm>> -> memref<128x64xf32, #tpu.memory_space<hbm>>
        %dma_wait3A_391 = arith.constant 0 : i32
        %dma_wait3A_392 = tpu.memref_slice %arg4[%mul3A_388, %dma_wait3A_391] : memref<819200x64xf32, #tpu.memory_space<hbm>> -> memref<128x64xf32, #tpu.memory_space<hbm>>
        tpu.wait_dma2 semaphore(%arg27 : memref<!tpu.dma_semaphore, #tpu.memory_space<semaphore_mem>>) src(%arg11 : memref<128x64xf32, #tpu.memory_space<vmem>>) dst(%dma_wait3A_392 : memref<128x64xf32, #tpu.memory_space<hbm>>)
      } else {
      }
      %add3A_88 = arith.constant 1 : i32
      %add3A_89 = arith.addi %mul3A_68, %add3A_88 : i32
      %mul3A_90 = arith.constant 4 : i32
      %mul3A_91 = arith.muli %add3A_89, %mul3A_90 : i32
      %add3A_92 = arith.constant 1 : i32
      %add3A_93 = arith.addi %mul3A_91, %add3A_92 : i32
      %dma_start3A_94 = arith.constant 0 : i32
      %dma_start3A_95 = tpu.memref_slice %arg5[%add3A_93, %dma_start3A_94] : memref<200x128xi32, #tpu.memory_space<vmem>> -> memref<1x128xi32, #tpu.memory_space<vmem>>
      %dma_start3A_96 = tpu.memref_squeeze %dma_start3A_95 : memref<1x128xi32, #tpu.memory_space<vmem>> -> memref<128xi32, #tpu.memory_space<vmem>>
      %dma_start3A_97 = arith.constant 0 : i32
      %dma_start3A_98 = arith.constant 0 : i32
      %dma_start3A_99 = tpu.memref_slice %arg2[%dma_start3A_97, %dma_start3A_98] : memref<1000000x64xf32, #tpu.memory_space<hbm>> -> memref<1000000x64xf32, #tpu.memory_space<hbm>>
      tpu.enqueue_indirect_dma source(%dma_start3A_99 : memref<1000000x64xf32, #tpu.memory_space<hbm>>) target(%arg11 : memref<128x64xf32, #tpu.memory_space<vmem>>) offsets(%dma_start3A_96 : memref<128xi32, #tpu.memory_space<vmem>>) semaphore(%arg19 : memref<!tpu.dma_semaphore, #tpu.memory_space<semaphore_mem>>)
      %gt3A_100 = arith.constant 0 : i32
      %gt3A_101 = arith.cmpi sgt, %scan3A_66, %gt3A_100 : i32
      %convert_element_type3A_102 = arith.extui %gt3A_101 : i1 to i32
      %cond3A_103 = arith.constant 0 : i32
      %cond3A_104 = arith.cmpi ne, %convert_element_type3A_102, %cond3A_103 : i32
      scf.if %cond3A_104 {
        %sub3A = arith.constant 1 : i32
        %sub3A_381 = arith.subi %mul3A_68, %sub3A : i32
        %mul3A_382 = arith.constant 4 : i32
        %mul3A_383 = arith.muli %sub3A_381, %mul3A_382 : i32
        %add3A_384 = arith.constant 2 : i32
        %add3A_385 = arith.addi %mul3A_383, %add3A_384 : i32
        %add3A_386 = arith.addi %mul3A_2, %add3A_385 : i32
        %mul3A_387 = arith.constant 128 : i32
        %mul3A_388 = arith.muli %add3A_386, %mul3A_387 : i32
        %dma_wait3A_389 = arith.constant 0 : i32
        %dma_wait3A_390 = tpu.memref_slice %arg4[%mul3A_388, %dma_wait3A_389] : memref<819200x64xf32, #tpu.memory_space<hbm>> -> memref<128x64xf32, #tpu.memory_space<hbm>>
        %dma_wait3A_391 = arith.constant 0 : i32
        %dma_wait3A_392 = tpu.memref_slice %arg4[%mul3A_388, %dma_wait3A_391] : memref<819200x64xf32, #tpu.memory_space<hbm>> -> memref<128x64xf32, #tpu.memory_space<hbm>>
        tpu.wait_dma2 semaphore(%arg28 : memref<!tpu.dma_semaphore, #tpu.memory_space<semaphore_mem>>) src(%arg12 : memref<128x64xf32, #tpu.memory_space<vmem>>) dst(%dma_wait3A_392 : memref<128x64xf32, #tpu.memory_space<hbm>>)
      } else {
      }
      %add3A_105 = arith.constant 1 : i32
      %add3A_106 = arith.addi %mul3A_68, %add3A_105 : i32
      %mul3A_107 = arith.constant 4 : i32
      %mul3A_108 = arith.muli %add3A_106, %mul3A_107 : i32
      %add3A_109 = arith.constant 2 : i32
      %add3A_110 = arith.addi %mul3A_108, %add3A_109 : i32
      %dma_start3A_111 = arith.constant 0 : i32
      %dma_start3A_112 = tpu.memref_slice %arg5[%add3A_110, %dma_start3A_111] : memref<200x128xi32, #tpu.memory_space<vmem>> -> memref<1x128xi32, #tpu.memory_space<vmem>>
      %dma_start3A_113 = tpu.memref_squeeze %dma_start3A_112 : memref<1x128xi32, #tpu.memory_space<vmem>> -> memref<128xi32, #tpu.memory_space<vmem>>
      %dma_start3A_114 = arith.constant 0 : i32
      %dma_start3A_115 = arith.constant 0 : i32
      %dma_start3A_116 = tpu.memref_slice %arg2[%dma_start3A_114, %dma_start3A_115] : memref<1000000x64xf32, #tpu.memory_space<hbm>> -> memref<1000000x64xf32, #tpu.memory_space<hbm>>
      tpu.enqueue_indirect_dma source(%dma_start3A_116 : memref<1000000x64xf32, #tpu.memory_space<hbm>>) target(%arg12 : memref<128x64xf32, #tpu.memory_space<vmem>>) offsets(%dma_start3A_113 : memref<128xi32, #tpu.memory_space<vmem>>) semaphore(%arg20 : memref<!tpu.dma_semaphore, #tpu.memory_space<semaphore_mem>>)
      %gt3A_117 = arith.constant 0 : i32
      %gt3A_118 = arith.cmpi sgt, %scan3A_66, %gt3A_117 : i32
      %convert_element_type3A_119 = arith.extui %gt3A_118 : i1 to i32
      %cond3A_120 = arith.constant 0 : i32
      %cond3A_121 = arith.cmpi ne, %convert_element_type3A_119, %cond3A_120 : i32
      scf.if %cond3A_121 {
        %sub3A = arith.constant 1 : i32
        %sub3A_381 = arith.subi %mul3A_68, %sub3A : i32
        %mul3A_382 = arith.constant 4 : i32
        %mul3A_383 = arith.muli %sub3A_381, %mul3A_382 : i32
        %add3A_384 = arith.constant 3 : i32
        %add3A_385 = arith.addi %mul3A_383, %add3A_384 : i32
        %add3A_386 = arith.addi %mul3A_2, %add3A_385 : i32
        %mul3A_387 = arith.constant 128 : i32
        %mul3A_388 = arith.muli %add3A_386, %mul3A_387 : i32
        %dma_wait3A_389 = arith.constant 0 : i32
        %dma_wait3A_390 = tpu.memref_slice %arg4[%mul3A_388, %dma_wait3A_389] : memref<819200x64xf32, #tpu.memory_space<hbm>> -> memref<128x64xf32, #tpu.memory_space<hbm>>
        %dma_wait3A_391 = arith.constant 0 : i32
        %dma_wait3A_392 = tpu.memref_slice %arg4[%mul3A_388, %dma_wait3A_391] : memref<819200x64xf32, #tpu.memory_space<hbm>> -> memref<128x64xf32, #tpu.memory_space<hbm>>
        tpu.wait_dma2 semaphore(%arg29 : memref<!tpu.dma_semaphore, #tpu.memory_space<semaphore_mem>>) src(%arg13 : memref<128x64xf32, #tpu.memory_space<vmem>>) dst(%dma_wait3A_392 : memref<128x64xf32, #tpu.memory_space<hbm>>)
      } else {
      }
      %add3A_122 = arith.constant 1 : i32
      %add3A_123 = arith.addi %mul3A_68, %add3A_122 : i32
      %mul3A_124 = arith.constant 4 : i32
      %mul3A_125 = arith.muli %add3A_123, %mul3A_124 : i32
      %add3A_126 = arith.constant 3 : i32
      %add3A_127 = arith.addi %mul3A_125, %add3A_126 : i32
      %dma_start3A_128 = arith.constant 0 : i32
      %dma_start3A_129 = tpu.memref_slice %arg5[%add3A_127, %dma_start3A_128] : memref<200x128xi32, #tpu.memory_space<vmem>> -> memref<1x128xi32, #tpu.memory_space<vmem>>
      %dma_start3A_130 = tpu.memref_squeeze %dma_start3A_129 : memref<1x128xi32, #tpu.memory_space<vmem>> -> memref<128xi32, #tpu.memory_space<vmem>>
      %dma_start3A_131 = arith.constant 0 : i32
      %dma_start3A_132 = arith.constant 0 : i32
      %dma_start3A_133 = tpu.memref_slice %arg2[%dma_start3A_131, %dma_start3A_132] : memref<1000000x64xf32, #tpu.memory_space<hbm>> -> memref<1000000x64xf32, #tpu.memory_space<hbm>>
      tpu.enqueue_indirect_dma source(%dma_start3A_133 : memref<1000000x64xf32, #tpu.memory_space<hbm>>) target(%arg13 : memref<128x64xf32, #tpu.memory_space<vmem>>) offsets(%dma_start3A_130 : memref<128xi32, #tpu.memory_space<vmem>>) semaphore(%arg21 : memref<!tpu.dma_semaphore, #tpu.memory_space<semaphore_mem>>)
      %mul3A_134 = arith.constant 4 : i32
      %mul3A_135 = arith.muli %mul3A_68, %mul3A_134 : i32
      %add3A_136 = arith.constant 0 : i32
      %add3A_137 = arith.addi %mul3A_135, %add3A_136 : i32
      %dma_wait3A_138 = arith.constant 0 : i32
      %dma_wait3A_139 = tpu.memref_slice %arg5[%add3A_137, %dma_wait3A_138] : memref<200x128xi32, #tpu.memory_space<vmem>> -> memref<1x128xi32, #tpu.memory_space<vmem>>
      %dma_wait3A_140 = tpu.memref_squeeze %dma_wait3A_139 : memref<1x128xi32, #tpu.memory_space<vmem>> -> memref<128xi32, #tpu.memory_space<vmem>>
      %dma_wait3A_141 = arith.constant 0 : i32
      %dma_wait3A_142 = arith.constant 0 : i32
      %dma_wait3A_143 = tpu.memref_slice %arg2[%dma_wait3A_141, %dma_wait3A_142] : memref<1000000x64xf32, #tpu.memory_space<hbm>> -> memref<1000000x64xf32, #tpu.memory_space<hbm>>
      tpu.wait_indirect_dma semaphore(%arg14 : memref<!tpu.dma_semaphore, #tpu.memory_space<semaphore_mem>>) src(%dma_wait3A_143 : memref<1000000x64xf32, #tpu.memory_space<hbm>>) dst(%arg6 : memref<128x64xf32, #tpu.memory_space<vmem>>)
      %mul3A_144 = arith.constant 4 : i32
      %mul3A_145 = arith.muli %mul3A_68, %mul3A_144 : i32
      %add3A_146 = arith.constant 0 : i32
      %add3A_147 = arith.addi %mul3A_145, %add3A_146 : i32
      %add3A_148 = arith.addi %mul3A_2, %add3A_147 : i32
      %mul3A_149 = arith.constant 128 : i32
      %mul3A_150 = arith.muli %add3A_148, %mul3A_149 : i32
      %dma_start3A_151 = arith.constant 0 : i32
      %dma_start3A_152 = tpu.memref_slice %arg4[%mul3A_150, %dma_start3A_151] : memref<819200x64xf32, #tpu.memory_space<hbm>> -> memref<128x64xf32, #tpu.memory_space<hbm>>
      %dma_start3A_153 = arith.constant 0 : i32
      %dma_start3A_154 = tpu.memref_slice %arg4[%mul3A_150, %dma_start3A_153] : memref<819200x64xf32, #tpu.memory_space<hbm>> -> memref<128x64xf32, #tpu.memory_space<hbm>>
      tpu.enqueue_dma source(%arg6 : memref<128x64xf32, #tpu.memory_space<vmem>>) target(%dma_start3A_154 : memref<128x64xf32, #tpu.memory_space<hbm>>) target_semaphore(%arg22 : memref<!tpu.dma_semaphore, #tpu.memory_space<semaphore_mem>>)
      %mul3A_155 = arith.constant 4 : i32
      %mul3A_156 = arith.muli %mul3A_68, %mul3A_155 : i32
      %add3A_157 = arith.constant 1 : i32
      %add3A_158 = arith.addi %mul3A_156, %add3A_157 : i32
      %dma_wait3A_159 = arith.constant 0 : i32
      %dma_wait3A_160 = tpu.memref_slice %arg5[%add3A_158, %dma_wait3A_159] : memref<200x128xi32, #tpu.memory_space<vmem>> -> memref<1x128xi32, #tpu.memory_space<vmem>>
      %dma_wait3A_161 = tpu.memref_squeeze %dma_wait3A_160 : memref<1x128xi32, #tpu.memory_space<vmem>> -> memref<128xi32, #tpu.memory_space<vmem>>
      %dma_wait3A_162 = arith.constant 0 : i32
      %dma_wait3A_163 = arith.constant 0 : i32
      %dma_wait3A_164 = tpu.memref_slice %arg2[%dma_wait3A_162, %dma_wait3A_163] : memref<1000000x64xf32, #tpu.memory_space<hbm>> -> memref<1000000x64xf32, #tpu.memory_space<hbm>>
      tpu.wait_indirect_dma semaphore(%arg15 : memref<!tpu.dma_semaphore, #tpu.memory_space<semaphore_mem>>) src(%dma_wait3A_164 : memref<1000000x64xf32, #tpu.memory_space<hbm>>) dst(%arg7 : memref<128x64xf32, #tpu.memory_space<vmem>>)
      %mul3A_165 = arith.constant 4 : i32
      %mul3A_166 = arith.muli %mul3A_68, %mul3A_165 : i32
      %add3A_167 = arith.constant 1 : i32
      %add3A_168 = arith.addi %mul3A_166, %add3A_167 : i32
      %add3A_169 = arith.addi %mul3A_2, %add3A_168 : i32
      %mul3A_170 = arith.constant 128 : i32
      %mul3A_171 = arith.muli %add3A_169, %mul3A_170 : i32
      %dma_start3A_172 = arith.constant 0 : i32
      %dma_start3A_173 = tpu.memref_slice %arg4[%mul3A_171, %dma_start3A_172] : memref<819200x64xf32, #tpu.memory_space<hbm>> -> memref<128x64xf32, #tpu.memory_space<hbm>>
      %dma_start3A_174 = arith.constant 0 : i32
      %dma_start3A_175 = tpu.memref_slice %arg4[%mul3A_171, %dma_start3A_174] : memref<819200x64xf32, #tpu.memory_space<hbm>> -> memref<128x64xf32, #tpu.memory_space<hbm>>
      tpu.enqueue_dma source(%arg7 : memref<128x64xf32, #tpu.memory_space<vmem>>) target(%dma_start3A_175 : memref<128x64xf32, #tpu.memory_space<hbm>>) target_semaphore(%arg23 : memref<!tpu.dma_semaphore, #tpu.memory_space<semaphore_mem>>)
      %mul3A_176 = arith.constant 4 : i32
      %mul3A_177 = arith.muli %mul3A_68, %mul3A_176 : i32
      %add3A_178 = arith.constant 2 : i32
      %add3A_179 = arith.addi %mul3A_177, %add3A_178 : i32
      %dma_wait3A_180 = arith.constant 0 : i32
      %dma_wait3A_181 = tpu.memref_slice %arg5[%add3A_179, %dma_wait3A_180] : memref<200x128xi32, #tpu.memory_space<vmem>> -> memref<1x128xi32, #tpu.memory_space<vmem>>
      %dma_wait3A_182 = tpu.memref_squeeze %dma_wait3A_181 : memref<1x128xi32, #tpu.memory_space<vmem>> -> memref<128xi32, #tpu.memory_space<vmem>>
      %dma_wait3A_183 = arith.constant 0 : i32
      %dma_wait3A_184 = arith.constant 0 : i32
      %dma_wait3A_185 = tpu.memref_slice %arg2[%dma_wait3A_183, %dma_wait3A_184] : memref<1000000x64xf32, #tpu.memory_space<hbm>> -> memref<1000000x64xf32, #tpu.memory_space<hbm>>
      tpu.wait_indirect_dma semaphore(%arg16 : memref<!tpu.dma_semaphore, #tpu.memory_space<semaphore_mem>>) src(%dma_wait3A_185 : memref<1000000x64xf32, #tpu.memory_space<hbm>>) dst(%arg8 : memref<128x64xf32, #tpu.memory_space<vmem>>)
      %mul3A_186 = arith.constant 4 : i32
      %mul3A_187 = arith.muli %mul3A_68, %mul3A_186 : i32
      %add3A_188 = arith.constant 2 : i32
      %add3A_189 = arith.addi %mul3A_187, %add3A_188 : i32
      %add3A_190 = arith.addi %mul3A_2, %add3A_189 : i32
      %mul3A_191 = arith.constant 128 : i32
      %mul3A_192 = arith.muli %add3A_190, %mul3A_191 : i32
      %dma_start3A_193 = arith.constant 0 : i32
      %dma_start3A_194 = tpu.memref_slice %arg4[%mul3A_192, %dma_start3A_193] : memref<819200x64xf32, #tpu.memory_space<hbm>> -> memref<128x64xf32, #tpu.memory_space<hbm>>
      %dma_start3A_195 = arith.constant 0 : i32
      %dma_start3A_196 = tpu.memref_slice %arg4[%mul3A_192, %dma_start3A_195] : memref<819200x64xf32, #tpu.memory_space<hbm>> -> memref<128x64xf32, #tpu.memory_space<hbm>>
      tpu.enqueue_dma source(%arg8 : memref<128x64xf32, #tpu.memory_space<vmem>>) target(%dma_start3A_196 : memref<128x64xf32, #tpu.memory_space<hbm>>) target_semaphore(%arg24 : memref<!tpu.dma_semaphore, #tpu.memory_space<semaphore_mem>>)
      %mul3A_197 = arith.constant 4 : i32
      %mul3A_198 = arith.muli %mul3A_68, %mul3A_197 : i32
      %add3A_199 = arith.constant 3 : i32
      %add3A_200 = arith.addi %mul3A_198, %add3A_199 : i32
      %dma_wait3A_201 = arith.constant 0 : i32
      %dma_wait3A_202 = tpu.memref_slice %arg5[%add3A_200, %dma_wait3A_201] : memref<200x128xi32, #tpu.memory_space<vmem>> -> memref<1x128xi32, #tpu.memory_space<vmem>>
      %dma_wait3A_203 = tpu.memref_squeeze %dma_wait3A_202 : memref<1x128xi32, #tpu.memory_space<vmem>> -> memref<128xi32, #tpu.memory_space<vmem>>
      %dma_wait3A_204 = arith.constant 0 : i32
      %dma_wait3A_205 = arith.constant 0 : i32
      %dma_wait3A_206 = tpu.memref_slice %arg2[%dma_wait3A_204, %dma_wait3A_205] : memref<1000000x64xf32, #tpu.memory_space<hbm>> -> memref<1000000x64xf32, #tpu.memory_space<hbm>>
      tpu.wait_indirect_dma semaphore(%arg17 : memref<!tpu.dma_semaphore, #tpu.memory_space<semaphore_mem>>) src(%dma_wait3A_206 : memref<1000000x64xf32, #tpu.memory_space<hbm>>) dst(%arg9 : memref<128x64xf32, #tpu.memory_space<vmem>>)
      %mul3A_207 = arith.constant 4 : i32
      %mul3A_208 = arith.muli %mul3A_68, %mul3A_207 : i32
      %add3A_209 = arith.constant 3 : i32
      %add3A_210 = arith.addi %mul3A_208, %add3A_209 : i32
      %add3A_211 = arith.addi %mul3A_2, %add3A_210 : i32
      %mul3A_212 = arith.constant 128 : i32
      %mul3A_213 = arith.muli %add3A_211, %mul3A_212 : i32
      %dma_start3A_214 = arith.constant 0 : i32
      %dma_start3A_215 = tpu.memref_slice %arg4[%mul3A_213, %dma_start3A_214] : memref<819200x64xf32, #tpu.memory_space<hbm>> -> memref<128x64xf32, #tpu.memory_space<hbm>>
      %dma_start3A_216 = arith.constant 0 : i32
      %dma_start3A_217 = tpu.memref_slice %arg4[%mul3A_213, %dma_start3A_216] : memref<819200x64xf32, #tpu.memory_space<hbm>> -> memref<128x64xf32, #tpu.memory_space<hbm>>
      tpu.enqueue_dma source(%arg9 : memref<128x64xf32, #tpu.memory_space<vmem>>) target(%dma_start3A_217 : memref<128x64xf32, #tpu.memory_space<hbm>>) target_semaphore(%arg25 : memref<!tpu.dma_semaphore, #tpu.memory_space<semaphore_mem>>)
      %mul3A_218 = arith.constant 4 : i32
      %mul3A_219 = arith.muli %mul3A_68, %mul3A_218 : i32
      %add3A_220 = arith.constant 0 : i32
      %add3A_221 = arith.addi %mul3A_219, %add3A_220 : i32
      %add3A_222 = arith.addi %mul3A_2, %add3A_221 : i32
      %mul3A_223 = arith.constant 128 : i32
      %mul3A_224 = arith.muli %add3A_222, %mul3A_223 : i32
      %dma_wait3A_225 = arith.constant 0 : i32
      %dma_wait3A_226 = tpu.memref_slice %arg4[%mul3A_224, %dma_wait3A_225] : memref<819200x64xf32, #tpu.memory_space<hbm>> -> memref<128x64xf32, #tpu.memory_space<hbm>>
      %dma_wait3A_227 = arith.constant 0 : i32
      %dma_wait3A_228 = tpu.memref_slice %arg4[%mul3A_224, %dma_wait3A_227] : memref<819200x64xf32, #tpu.memory_space<hbm>> -> memref<128x64xf32, #tpu.memory_space<hbm>>
      tpu.wait_dma2 semaphore(%arg22 : memref<!tpu.dma_semaphore, #tpu.memory_space<semaphore_mem>>) src(%arg6 : memref<128x64xf32, #tpu.memory_space<vmem>>) dst(%dma_wait3A_228 : memref<128x64xf32, #tpu.memory_space<hbm>>)
      %lt3A = arith.constant 24 : i32
      %lt3A_229 = arith.cmpi slt, %scan3A_66, %lt3A : i32
      %convert_element_type3A_230 = arith.extui %lt3A_229 : i1 to i32
      %cond3A_231 = arith.constant 0 : i32
      %cond3A_232 = arith.cmpi ne, %convert_element_type3A_230, %cond3A_231 : i32
      scf.if %cond3A_232 {
        %add3A_381 = arith.constant 2 : i32
        %add3A_382 = arith.addi %mul3A_68, %add3A_381 : i32
        %mul3A_383 = arith.constant 4 : i32
        %mul3A_384 = arith.muli %add3A_382, %mul3A_383 : i32
        %add3A_385 = arith.constant 0 : i32
        %add3A_386 = arith.addi %mul3A_384, %add3A_385 : i32
        %dma_start3A_387 = arith.constant 0 : i32
        %dma_start3A_388 = tpu.memref_slice %arg5[%add3A_386, %dma_start3A_387] : memref<200x128xi32, #tpu.memory_space<vmem>> -> memref<1x128xi32, #tpu.memory_space<vmem>>
        %dma_start3A_389 = tpu.memref_squeeze %dma_start3A_388 : memref<1x128xi32, #tpu.memory_space<vmem>> -> memref<128xi32, #tpu.memory_space<vmem>>
        %dma_start3A_390 = arith.constant 0 : i32
        %dma_start3A_391 = arith.constant 0 : i32
        %dma_start3A_392 = tpu.memref_slice %arg2[%dma_start3A_390, %dma_start3A_391] : memref<1000000x64xf32, #tpu.memory_space<hbm>> -> memref<1000000x64xf32, #tpu.memory_space<hbm>>
        tpu.enqueue_indirect_dma source(%dma_start3A_392 : memref<1000000x64xf32, #tpu.memory_space<hbm>>) target(%arg6 : memref<128x64xf32, #tpu.memory_space<vmem>>) offsets(%dma_start3A_389 : memref<128xi32, #tpu.memory_space<vmem>>) semaphore(%arg14 : memref<!tpu.dma_semaphore, #tpu.memory_space<semaphore_mem>>)
      } else {
      }
      %mul3A_233 = arith.constant 4 : i32
      %mul3A_234 = arith.muli %mul3A_68, %mul3A_233 : i32
      %add3A_235 = arith.constant 1 : i32
      %add3A_236 = arith.addi %mul3A_234, %add3A_235 : i32
      %add3A_237 = arith.addi %mul3A_2, %add3A_236 : i32
      %mul3A_238 = arith.constant 128 : i32
      %mul3A_239 = arith.muli %add3A_237, %mul3A_238 : i32
      %dma_wait3A_240 = arith.constant 0 : i32
      %dma_wait3A_241 = tpu.memref_slice %arg4[%mul3A_239, %dma_wait3A_240] : memref<819200x64xf32, #tpu.memory_space<hbm>> -> memref<128x64xf32, #tpu.memory_space<hbm>>
      %dma_wait3A_242 = arith.constant 0 : i32
      %dma_wait3A_243 = tpu.memref_slice %arg4[%mul3A_239, %dma_wait3A_242] : memref<819200x64xf32, #tpu.memory_space<hbm>> -> memref<128x64xf32, #tpu.memory_space<hbm>>
      tpu.wait_dma2 semaphore(%arg23 : memref<!tpu.dma_semaphore, #tpu.memory_space<semaphore_mem>>) src(%arg7 : memref<128x64xf32, #tpu.memory_space<vmem>>) dst(%dma_wait3A_243 : memref<128x64xf32, #tpu.memory_space<hbm>>)
      %lt3A_244 = arith.constant 24 : i32
      %lt3A_245 = arith.cmpi slt, %scan3A_66, %lt3A_244 : i32
      %convert_element_type3A_246 = arith.extui %lt3A_245 : i1 to i32
      %cond3A_247 = arith.constant 0 : i32
      %cond3A_248 = arith.cmpi ne, %convert_element_type3A_246, %cond3A_247 : i32
      scf.if %cond3A_248 {
        %add3A_381 = arith.constant 2 : i32
        %add3A_382 = arith.addi %mul3A_68, %add3A_381 : i32
        %mul3A_383 = arith.constant 4 : i32
        %mul3A_384 = arith.muli %add3A_382, %mul3A_383 : i32
        %add3A_385 = arith.constant 1 : i32
        %add3A_386 = arith.addi %mul3A_384, %add3A_385 : i32
        %dma_start3A_387 = arith.constant 0 : i32
        %dma_start3A_388 = tpu.memref_slice %arg5[%add3A_386, %dma_start3A_387] : memref<200x128xi32, #tpu.memory_space<vmem>> -> memref<1x128xi32, #tpu.memory_space<vmem>>
        %dma_start3A_389 = tpu.memref_squeeze %dma_start3A_388 : memref<1x128xi32, #tpu.memory_space<vmem>> -> memref<128xi32, #tpu.memory_space<vmem>>
        %dma_start3A_390 = arith.constant 0 : i32
        %dma_start3A_391 = arith.constant 0 : i32
        %dma_start3A_392 = tpu.memref_slice %arg2[%dma_start3A_390, %dma_start3A_391] : memref<1000000x64xf32, #tpu.memory_space<hbm>> -> memref<1000000x64xf32, #tpu.memory_space<hbm>>
        tpu.enqueue_indirect_dma source(%dma_start3A_392 : memref<1000000x64xf32, #tpu.memory_space<hbm>>) target(%arg7 : memref<128x64xf32, #tpu.memory_space<vmem>>) offsets(%dma_start3A_389 : memref<128xi32, #tpu.memory_space<vmem>>) semaphore(%arg15 : memref<!tpu.dma_semaphore, #tpu.memory_space<semaphore_mem>>)
      } else {
      }
      %mul3A_249 = arith.constant 4 : i32
      %mul3A_250 = arith.muli %mul3A_68, %mul3A_249 : i32
      %add3A_251 = arith.constant 2 : i32
      %add3A_252 = arith.addi %mul3A_250, %add3A_251 : i32
      %add3A_253 = arith.addi %mul3A_2, %add3A_252 : i32
      %mul3A_254 = arith.constant 128 : i32
      %mul3A_255 = arith.muli %add3A_253, %mul3A_254 : i32
      %dma_wait3A_256 = arith.constant 0 : i32
      %dma_wait3A_257 = tpu.memref_slice %arg4[%mul3A_255, %dma_wait3A_256] : memref<819200x64xf32, #tpu.memory_space<hbm>> -> memref<128x64xf32, #tpu.memory_space<hbm>>
      %dma_wait3A_258 = arith.constant 0 : i32
      %dma_wait3A_259 = tpu.memref_slice %arg4[%mul3A_255, %dma_wait3A_258] : memref<819200x64xf32, #tpu.memory_space<hbm>> -> memref<128x64xf32, #tpu.memory_space<hbm>>
      tpu.wait_dma2 semaphore(%arg24 : memref<!tpu.dma_semaphore, #tpu.memory_space<semaphore_mem>>) src(%arg8 : memref<128x64xf32, #tpu.memory_space<vmem>>) dst(%dma_wait3A_259 : memref<128x64xf32, #tpu.memory_space<hbm>>)
      %lt3A_260 = arith.constant 24 : i32
      %lt3A_261 = arith.cmpi slt, %scan3A_66, %lt3A_260 : i32
      %convert_element_type3A_262 = arith.extui %lt3A_261 : i1 to i32
      %cond3A_263 = arith.constant 0 : i32
      %cond3A_264 = arith.cmpi ne, %convert_element_type3A_262, %cond3A_263 : i32
      scf.if %cond3A_264 {
        %add3A_381 = arith.constant 2 : i32
        %add3A_382 = arith.addi %mul3A_68, %add3A_381 : i32
        %mul3A_383 = arith.constant 4 : i32
        %mul3A_384 = arith.muli %add3A_382, %mul3A_383 : i32
        %add3A_385 = arith.constant 2 : i32
        %add3A_386 = arith.addi %mul3A_384, %add3A_385 : i32
        %dma_start3A_387 = arith.constant 0 : i32
        %dma_start3A_388 = tpu.memref_slice %arg5[%add3A_386, %dma_start3A_387] : memref<200x128xi32, #tpu.memory_space<vmem>> -> memref<1x128xi32, #tpu.memory_space<vmem>>
        %dma_start3A_389 = tpu.memref_squeeze %dma_start3A_388 : memref<1x128xi32, #tpu.memory_space<vmem>> -> memref<128xi32, #tpu.memory_space<vmem>>
        %dma_start3A_390 = arith.constant 0 : i32
        %dma_start3A_391 = arith.constant 0 : i32
        %dma_start3A_392 = tpu.memref_slice %arg2[%dma_start3A_390, %dma_start3A_391] : memref<1000000x64xf32, #tpu.memory_space<hbm>> -> memref<1000000x64xf32, #tpu.memory_space<hbm>>
        tpu.enqueue_indirect_dma source(%dma_start3A_392 : memref<1000000x64xf32, #tpu.memory_space<hbm>>) target(%arg8 : memref<128x64xf32, #tpu.memory_space<vmem>>) offsets(%dma_start3A_389 : memref<128xi32, #tpu.memory_space<vmem>>) semaphore(%arg16 : memref<!tpu.dma_semaphore, #tpu.memory_space<semaphore_mem>>)
      } else {
      }
      %mul3A_265 = arith.constant 4 : i32
      %mul3A_266 = arith.muli %mul3A_68, %mul3A_265 : i32
      %add3A_267 = arith.constant 3 : i32
      %add3A_268 = arith.addi %mul3A_266, %add3A_267 : i32
      %add3A_269 = arith.addi %mul3A_2, %add3A_268 : i32
      %mul3A_270 = arith.constant 128 : i32
      %mul3A_271 = arith.muli %add3A_269, %mul3A_270 : i32
      %dma_wait3A_272 = arith.constant 0 : i32
      %dma_wait3A_273 = tpu.memref_slice %arg4[%mul3A_271, %dma_wait3A_272] : memref<819200x64xf32, #tpu.memory_space<hbm>> -> memref<128x64xf32, #tpu.memory_space<hbm>>
      %dma_wait3A_274 = arith.constant 0 : i32
      %dma_wait3A_275 = tpu.memref_slice %arg4[%mul3A_271, %dma_wait3A_274] : memref<819200x64xf32, #tpu.memory_space<hbm>> -> memref<128x64xf32, #tpu.memory_space<hbm>>
      tpu.wait_dma2 semaphore(%arg25 : memref<!tpu.dma_semaphore, #tpu.memory_space<semaphore_mem>>) src(%arg9 : memref<128x64xf32, #tpu.memory_space<vmem>>) dst(%dma_wait3A_275 : memref<128x64xf32, #tpu.memory_space<hbm>>)
      %lt3A_276 = arith.constant 24 : i32
      %lt3A_277 = arith.cmpi slt, %scan3A_66, %lt3A_276 : i32
      %convert_element_type3A_278 = arith.extui %lt3A_277 : i1 to i32
      %cond3A_279 = arith.constant 0 : i32
      %cond3A_280 = arith.cmpi ne, %convert_element_type3A_278, %cond3A_279 : i32
      scf.if %cond3A_280 {
        %add3A_381 = arith.constant 2 : i32
        %add3A_382 = arith.addi %mul3A_68, %add3A_381 : i32
        %mul3A_383 = arith.constant 4 : i32
        %mul3A_384 = arith.muli %add3A_382, %mul3A_383 : i32
        %add3A_385 = arith.constant 3 : i32
        %add3A_386 = arith.addi %mul3A_384, %add3A_385 : i32
        %dma_start3A_387 = arith.constant 0 : i32
        %dma_start3A_388 = tpu.memref_slice %arg5[%add3A_386, %dma_start3A_387] : memref<200x128xi32, #tpu.memory_space<vmem>> -> memref<1x128xi32, #tpu.memory_space<vmem>>
        %dma_start3A_389 = tpu.memref_squeeze %dma_start3A_388 : memref<1x128xi32, #tpu.memory_space<vmem>> -> memref<128xi32, #tpu.memory_space<vmem>>
        %dma_start3A_390 = arith.constant 0 : i32
        %dma_start3A_391 = arith.constant 0 : i32
        %dma_start3A_392 = tpu.memref_slice %arg2[%dma_start3A_390, %dma_start3A_391] : memref<1000000x64xf32, #tpu.memory_space<hbm>> -> memref<1000000x64xf32, #tpu.memory_space<hbm>>
        tpu.enqueue_indirect_dma source(%dma_start3A_392 : memref<1000000x64xf32, #tpu.memory_space<hbm>>) target(%arg9 : memref<128x64xf32, #tpu.memory_space<vmem>>) offsets(%dma_start3A_389 : memref<128xi32, #tpu.memory_space<vmem>>) semaphore(%arg17 : memref<!tpu.dma_semaphore, #tpu.memory_space<semaphore_mem>>)
      } else {
      }
      %add3A_281 = arith.constant 1 : i32
      %add3A_282 = arith.addi %mul3A_68, %add3A_281 : i32
      %mul3A_283 = arith.constant 4 : i32
      %mul3A_284 = arith.muli %add3A_282, %mul3A_283 : i32
      %add3A_285 = arith.constant 0 : i32
      %add3A_286 = arith.addi %mul3A_284, %add3A_285 : i32
      %dma_wait3A_287 = arith.constant 0 : i32
      %dma_wait3A_288 = tpu.memref_slice %arg5[%add3A_286, %dma_wait3A_287] : memref<200x128xi32, #tpu.memory_space<vmem>> -> memref<1x128xi32, #tpu.memory_space<vmem>>
      %dma_wait3A_289 = tpu.memref_squeeze %dma_wait3A_288 : memref<1x128xi32, #tpu.memory_space<vmem>> -> memref<128xi32, #tpu.memory_space<vmem>>
      %dma_wait3A_290 = arith.constant 0 : i32
      %dma_wait3A_291 = arith.constant 0 : i32
      %dma_wait3A_292 = tpu.memref_slice %arg2[%dma_wait3A_290, %dma_wait3A_291] : memref<1000000x64xf32, #tpu.memory_space<hbm>> -> memref<1000000x64xf32, #tpu.memory_space<hbm>>
      tpu.wait_indirect_dma semaphore(%arg18 : memref<!tpu.dma_semaphore, #tpu.memory_space<semaphore_mem>>) src(%dma_wait3A_292 : memref<1000000x64xf32, #tpu.memory_space<hbm>>) dst(%arg10 : memref<128x64xf32, #tpu.memory_space<vmem>>)
      %add3A_293 = arith.constant 1 : i32
      %add3A_294 = arith.addi %mul3A_68, %add3A_293 : i32
      %mul3A_295 = arith.constant 4 : i32
      %mul3A_296 = arith.muli %add3A_294, %mul3A_295 : i32
      %add3A_297 = arith.constant 0 : i32
      %add3A_298 = arith.addi %mul3A_296, %add3A_297 : i32
      %add3A_299 = arith.addi %mul3A_2, %add3A_298 : i32
      %mul3A_300 = arith.constant 128 : i32
      %mul3A_301 = arith.muli %add3A_299, %mul3A_300 : i32
      %dma_start3A_302 = arith.constant 0 : i32
      %dma_start3A_303 = tpu.memref_slice %arg4[%mul3A_301, %dma_start3A_302] : memref<819200x64xf32, #tpu.memory_space<hbm>> -> memref<128x64xf32, #tpu.memory_space<hbm>>
      %dma_start3A_304 = arith.constant 0 : i32
      %dma_start3A_305 = tpu.memref_slice %arg4[%mul3A_301, %dma_start3A_304] : memref<819200x64xf32, #tpu.memory_space<hbm>> -> memref<128x64xf32, #tpu.memory_space<hbm>>
      tpu.enqueue_dma source(%arg10 : memref<128x64xf32, #tpu.memory_space<vmem>>) target(%dma_start3A_305 : memref<128x64xf32, #tpu.memory_space<hbm>>) target_semaphore(%arg26 : memref<!tpu.dma_semaphore, #tpu.memory_space<semaphore_mem>>)
      %add3A_306 = arith.constant 1 : i32
      %add3A_307 = arith.addi %mul3A_68, %add3A_306 : i32
      %mul3A_308 = arith.constant 4 : i32
      %mul3A_309 = arith.muli %add3A_307, %mul3A_308 : i32
      %add3A_310 = arith.constant 1 : i32
      %add3A_311 = arith.addi %mul3A_309, %add3A_310 : i32
      %dma_wait3A_312 = arith.constant 0 : i32
      %dma_wait3A_313 = tpu.memref_slice %arg5[%add3A_311, %dma_wait3A_312] : memref<200x128xi32, #tpu.memory_space<vmem>> -> memref<1x128xi32, #tpu.memory_space<vmem>>
      %dma_wait3A_314 = tpu.memref_squeeze %dma_wait3A_313 : memref<1x128xi32, #tpu.memory_space<vmem>> -> memref<128xi32, #tpu.memory_space<vmem>>
      %dma_wait3A_315 = arith.constant 0 : i32
      %dma_wait3A_316 = arith.constant 0 : i32
      %dma_wait3A_317 = tpu.memref_slice %arg2[%dma_wait3A_315, %dma_wait3A_316] : memref<1000000x64xf32, #tpu.memory_space<hbm>> -> memref<1000000x64xf32, #tpu.memory_space<hbm>>
      tpu.wait_indirect_dma semaphore(%arg19 : memref<!tpu.dma_semaphore, #tpu.memory_space<semaphore_mem>>) src(%dma_wait3A_317 : memref<1000000x64xf32, #tpu.memory_space<hbm>>) dst(%arg11 : memref<128x64xf32, #tpu.memory_space<vmem>>)
      %add3A_318 = arith.constant 1 : i32
      %add3A_319 = arith.addi %mul3A_68, %add3A_318 : i32
      %mul3A_320 = arith.constant 4 : i32
      %mul3A_321 = arith.muli %add3A_319, %mul3A_320 : i32
      %add3A_322 = arith.constant 1 : i32
      %add3A_323 = arith.addi %mul3A_321, %add3A_322 : i32
      %add3A_324 = arith.addi %mul3A_2, %add3A_323 : i32
      %mul3A_325 = arith.constant 128 : i32
      %mul3A_326 = arith.muli %add3A_324, %mul3A_325 : i32
      %dma_start3A_327 = arith.constant 0 : i32
      %dma_start3A_328 = tpu.memref_slice %arg4[%mul3A_326, %dma_start3A_327] : memref<819200x64xf32, #tpu.memory_space<hbm>> -> memref<128x64xf32, #tpu.memory_space<hbm>>
      %dma_start3A_329 = arith.constant 0 : i32
      %dma_start3A_330 = tpu.memref_slice %arg4[%mul3A_326, %dma_start3A_329] : memref<819200x64xf32, #tpu.memory_space<hbm>> -> memref<128x64xf32, #tpu.memory_space<hbm>>
      tpu.enqueue_dma source(%arg11 : memref<128x64xf32, #tpu.memory_space<vmem>>) target(%dma_start3A_330 : memref<128x64xf32, #tpu.memory_space<hbm>>) target_semaphore(%arg27 : memref<!tpu.dma_semaphore, #tpu.memory_space<semaphore_mem>>)
      %add3A_331 = arith.constant 1 : i32
      %add3A_332 = arith.addi %mul3A_68, %add3A_331 : i32
      %mul3A_333 = arith.constant 4 : i32
      %mul3A_334 = arith.muli %add3A_332, %mul3A_333 : i32
      %add3A_335 = arith.constant 2 : i32
      %add3A_336 = arith.addi %mul3A_334, %add3A_335 : i32
      %dma_wait3A_337 = arith.constant 0 : i32
      %dma_wait3A_338 = tpu.memref_slice %arg5[%add3A_336, %dma_wait3A_337] : memref<200x128xi32, #tpu.memory_space<vmem>> -> memref<1x128xi32, #tpu.memory_space<vmem>>
      %dma_wait3A_339 = tpu.memref_squeeze %dma_wait3A_338 : memref<1x128xi32, #tpu.memory_space<vmem>> -> memref<128xi32, #tpu.memory_space<vmem>>
      %dma_wait3A_340 = arith.constant 0 : i32
      %dma_wait3A_341 = arith.constant 0 : i32
      %dma_wait3A_342 = tpu.memref_slice %arg2[%dma_wait3A_340, %dma_wait3A_341] : memref<1000000x64xf32, #tpu.memory_space<hbm>> -> memref<1000000x64xf32, #tpu.memory_space<hbm>>
      tpu.wait_indirect_dma semaphore(%arg20 : memref<!tpu.dma_semaphore, #tpu.memory_space<semaphore_mem>>) src(%dma_wait3A_342 : memref<1000000x64xf32, #tpu.memory_space<hbm>>) dst(%arg12 : memref<128x64xf32, #tpu.memory_space<vmem>>)
      %add3A_343 = arith.constant 1 : i32
      %add3A_344 = arith.addi %mul3A_68, %add3A_343 : i32
      %mul3A_345 = arith.constant 4 : i32
      %mul3A_346 = arith.muli %add3A_344, %mul3A_345 : i32
      %add3A_347 = arith.constant 2 : i32
      %add3A_348 = arith.addi %mul3A_346, %add3A_347 : i32
      %add3A_349 = arith.addi %mul3A_2, %add3A_348 : i32
      %mul3A_350 = arith.constant 128 : i32
      %mul3A_351 = arith.muli %add3A_349, %mul3A_350 : i32
      %dma_start3A_352 = arith.constant 0 : i32
      %dma_start3A_353 = tpu.memref_slice %arg4[%mul3A_351, %dma_start3A_352] : memref<819200x64xf32, #tpu.memory_space<hbm>> -> memref<128x64xf32, #tpu.memory_space<hbm>>
      %dma_start3A_354 = arith.constant 0 : i32
      %dma_start3A_355 = tpu.memref_slice %arg4[%mul3A_351, %dma_start3A_354] : memref<819200x64xf32, #tpu.memory_space<hbm>> -> memref<128x64xf32, #tpu.memory_space<hbm>>
      tpu.enqueue_dma source(%arg12 : memref<128x64xf32, #tpu.memory_space<vmem>>) target(%dma_start3A_355 : memref<128x64xf32, #tpu.memory_space<hbm>>) target_semaphore(%arg28 : memref<!tpu.dma_semaphore, #tpu.memory_space<semaphore_mem>>)
      %add3A_356 = arith.constant 1 : i32
      %add3A_357 = arith.addi %mul3A_68, %add3A_356 : i32
      %mul3A_358 = arith.constant 4 : i32
      %mul3A_359 = arith.muli %add3A_357, %mul3A_358 : i32
      %add3A_360 = arith.constant 3 : i32
      %add3A_361 = arith.addi %mul3A_359, %add3A_360 : i32
      %dma_wait3A_362 = arith.constant 0 : i32
      %dma_wait3A_363 = tpu.memref_slice %arg5[%add3A_361, %dma_wait3A_362] : memref<200x128xi32, #tpu.memory_space<vmem>> -> memref<1x128xi32, #tpu.memory_space<vmem>>
      %dma_wait3A_364 = tpu.memref_squeeze %dma_wait3A_363 : memref<1x128xi32, #tpu.memory_space<vmem>> -> memref<128xi32, #tpu.memory_space<vmem>>
      %dma_wait3A_365 = arith.constant 0 : i32
      %dma_wait3A_366 = arith.constant 0 : i32
      %dma_wait3A_367 = tpu.memref_slice %arg2[%dma_wait3A_365, %dma_wait3A_366] : memref<1000000x64xf32, #tpu.memory_space<hbm>> -> memref<1000000x64xf32, #tpu.memory_space<hbm>>
      tpu.wait_indirect_dma semaphore(%arg21 : memref<!tpu.dma_semaphore, #tpu.memory_space<semaphore_mem>>) src(%dma_wait3A_367 : memref<1000000x64xf32, #tpu.memory_space<hbm>>) dst(%arg13 : memref<128x64xf32, #tpu.memory_space<vmem>>)
      %add3A_368 = arith.constant 1 : i32
      %add3A_369 = arith.addi %mul3A_68, %add3A_368 : i32
      %mul3A_370 = arith.constant 4 : i32
      %mul3A_371 = arith.muli %add3A_369, %mul3A_370 : i32
      %add3A_372 = arith.constant 3 : i32
      %add3A_373 = arith.addi %mul3A_371, %add3A_372 : i32
      %add3A_374 = arith.addi %mul3A_2, %add3A_373 : i32
      %mul3A_375 = arith.constant 128 : i32
      %mul3A_376 = arith.muli %add3A_374, %mul3A_375 : i32
      %dma_start3A_377 = arith.constant 0 : i32
      %dma_start3A_378 = tpu.memref_slice %arg4[%mul3A_376, %dma_start3A_377] : memref<819200x64xf32, #tpu.memory_space<hbm>> -> memref<128x64xf32, #tpu.memory_space<hbm>>
      %dma_start3A_379 = arith.constant 0 : i32
      %dma_start3A_380 = tpu.memref_slice %arg4[%mul3A_376, %dma_start3A_379] : memref<819200x64xf32, #tpu.memory_space<hbm>> -> memref<128x64xf32, #tpu.memory_space<hbm>>
      tpu.enqueue_dma source(%arg13 : memref<128x64xf32, #tpu.memory_space<vmem>>) target(%dma_start3A_380 : memref<128x64xf32, #tpu.memory_space<hbm>>) target_semaphore(%arg29 : memref<!tpu.dma_semaphore, #tpu.memory_space<semaphore_mem>>)
    }
    %scan3A_34 = arith.constant 25 : i32
    %add3A_35 = arith.constant 196 : i32
    %add3A_36 = arith.addi %mul3A_2, %add3A_35 : i32
    %mul3A_37 = arith.constant 128 : i32
    %mul3A_38 = arith.muli %add3A_36, %mul3A_37 : i32
    %dma_wait3A = arith.constant 0 : i32
    %dma_wait3A_39 = tpu.memref_slice %arg4[%mul3A_38, %dma_wait3A] : memref<819200x64xf32, #tpu.memory_space<hbm>> -> memref<128x64xf32, #tpu.memory_space<hbm>>
    %dma_wait3A_40 = arith.constant 0 : i32
    %dma_wait3A_41 = tpu.memref_slice %arg4[%mul3A_38, %dma_wait3A_40] : memref<819200x64xf32, #tpu.memory_space<hbm>> -> memref<128x64xf32, #tpu.memory_space<hbm>>
    tpu.wait_dma2 semaphore(%arg26 : memref<!tpu.dma_semaphore, #tpu.memory_space<semaphore_mem>>) src(%arg10 : memref<128x64xf32, #tpu.memory_space<vmem>>) dst(%dma_wait3A_41 : memref<128x64xf32, #tpu.memory_space<hbm>>)
    %add3A_42 = arith.constant 197 : i32
    %add3A_43 = arith.addi %mul3A_2, %add3A_42 : i32
    %mul3A_44 = arith.constant 128 : i32
    %mul3A_45 = arith.muli %add3A_43, %mul3A_44 : i32
    %dma_wait3A_46 = arith.constant 0 : i32
    %dma_wait3A_47 = tpu.memref_slice %arg4[%mul3A_45, %dma_wait3A_46] : memref<819200x64xf32, #tpu.memory_space<hbm>> -> memref<128x64xf32, #tpu.memory_space<hbm>>
    %dma_wait3A_48 = arith.constant 0 : i32
    %dma_wait3A_49 = tpu.memref_slice %arg4[%mul3A_45, %dma_wait3A_48] : memref<819200x64xf32, #tpu.memory_space<hbm>> -> memref<128x64xf32, #tpu.memory_space<hbm>>
    tpu.wait_dma2 semaphore(%arg27 : memref<!tpu.dma_semaphore, #tpu.memory_space<semaphore_mem>>) src(%arg11 : memref<128x64xf32, #tpu.memory_space<vmem>>) dst(%dma_wait3A_49 : memref<128x64xf32, #tpu.memory_space<hbm>>)
    %add3A_50 = arith.constant 198 : i32
    %add3A_51 = arith.addi %mul3A_2, %add3A_50 : i32
    %mul3A_52 = arith.constant 128 : i32
    %mul3A_53 = arith.muli %add3A_51, %mul3A_52 : i32
    %dma_wait3A_54 = arith.constant 0 : i32
    %dma_wait3A_55 = tpu.memref_slice %arg4[%mul3A_53, %dma_wait3A_54] : memref<819200x64xf32, #tpu.memory_space<hbm>> -> memref<128x64xf32, #tpu.memory_space<hbm>>
    %dma_wait3A_56 = arith.constant 0 : i32
    %dma_wait3A_57 = tpu.memref_slice %arg4[%mul3A_53, %dma_wait3A_56] : memref<819200x64xf32, #tpu.memory_space<hbm>> -> memref<128x64xf32, #tpu.memory_space<hbm>>
    tpu.wait_dma2 semaphore(%arg28 : memref<!tpu.dma_semaphore, #tpu.memory_space<semaphore_mem>>) src(%arg12 : memref<128x64xf32, #tpu.memory_space<vmem>>) dst(%dma_wait3A_57 : memref<128x64xf32, #tpu.memory_space<hbm>>)
    %add3A_58 = arith.constant 199 : i32
    %add3A_59 = arith.addi %mul3A_2, %add3A_58 : i32
    %mul3A_60 = arith.constant 128 : i32
    %mul3A_61 = arith.muli %add3A_59, %mul3A_60 : i32
    %dma_wait3A_62 = arith.constant 0 : i32
    %dma_wait3A_63 = tpu.memref_slice %arg4[%mul3A_61, %dma_wait3A_62] : memref<819200x64xf32, #tpu.memory_space<hbm>> -> memref<128x64xf32, #tpu.memory_space<hbm>>
    %dma_wait3A_64 = arith.constant 0 : i32
    %dma_wait3A_65 = tpu.memref_slice %arg4[%mul3A_61, %dma_wait3A_64] : memref<819200x64xf32, #tpu.memory_space<hbm>> -> memref<128x64xf32, #tpu.memory_space<hbm>>
    tpu.wait_dma2 semaphore(%arg29 : memref<!tpu.dma_semaphore, #tpu.memory_space<semaphore_mem>>) src(%arg13 : memref<128x64xf32, #tpu.memory_space<vmem>>) dst(%dma_wait3A_65 : memref<128x64xf32, #tpu.memory_space<hbm>>)
    return
  }
}

module attributes {stable_mosaic.version = 14 : i64} {
  func.func @_relayout_body(%arg0: i32, %arg1: memref<128x3200xf32, #tpu.memory_space<vmem>>, %arg2: memref<50x8x1x8x128xf32, #tpu.memory_space<vmem>>) attributes {dimension_semantics = [#tpu.dimension_semantics<arbitrary>], iteration_bounds = array<i64: 128>, scalar_prefetch = 0 : i64, scratch_operands = 0 : i64, tpu.core_type = #tpu.core_type<tc>, window_params = [{transform_indices = @transform_0, window_bounds = array<i64: 128, 3200>}, {transform_indices = @transform_1, window_bounds = array<i64: 50, 8, 1, 8, 128>}]} {
    %get3A = arith.constant 0 : index
    %get3A_0 = arith.constant 0 : index
    %get3A_1 = vector.load %arg1[%get3A, %get3A_0] : memref<128x3200xf32, #tpu.memory_space<vmem>>, vector<128x3200xf32>
    %transpose3A = tpu.transpose %get3A_1, [1, 0] : vector<128x3200xf32> -> vector<3200x128xf32>
    %reshape3A = vector.shape_cast %transpose3A : vector<3200x128xf32> to vector<50x8x1x8x128xf32>
    %swap3A = arith.constant 0 : index
    %swap3A_2 = arith.constant 0 : index
    %swap3A_3 = arith.constant 0 : index
    %swap3A_4 = arith.constant 0 : index
    %swap3A_5 = arith.constant 0 : index
    %swap3A_6 = vector.load %arg2[%swap3A, %swap3A_2, %swap3A_3, %swap3A_4, %swap3A_5] : memref<50x8x1x8x128xf32, #tpu.memory_space<vmem>>, vector<50x8x1x8x128xf32>
    tpu.vector_store %arg2[%swap3A, %swap3A_2, %swap3A_3, %swap3A_4, %swap3A_5], %reshape3A {strides = array<i32>} : memref<50x8x1x8x128xf32, #tpu.memory_space<vmem>>, vector<50x8x1x8x128xf32>,
    return
  }
  func.func @transform_0(%arg0: i32) -> (i32, i32) {
    %c0_i32 = arith.constant 0 : i32
    %c0_i32_0 = arith.constant 0 : i32
    return %arg0, %c0_i32 : i32, i32
  }
  func.func @transform_1(%arg0: i32) -> (i32, i32, i32, i32, i32) {
    %c0_i32 = arith.constant 0 : i32
    %c0_i32_0 = arith.constant 0 : i32
    %c0_i32_1 = arith.constant 0 : i32
    %c0_i32_2 = arith.constant 0 : i32
    %c0_i32_3 = arith.constant 0 : i32
    return %c0_i32, %c0_i32_0, %arg0, %c0_i32_1, %c0_i32_2 : i32, i32, i32, i32, i32
  }
}

</mosaic_0001>

<sc_bundles>
// kernel: kernel.4.cloned.1.call-start
scs
__scs_entry_jumppad:
0x0: {  	(pc) =	sbr.rel $0x88, $3  }
0x1: {  	(tag) =	ssettag $0x0;
	lr =	simm.s32 $0x1  }
0x2: {  	[smem:$0x3F9F] =	sst lr;
	_ =	strace $0xD0000000  }
0x3: {  	_ = 	snop  }
0x4: {  	_ = 	snop  }
0x5: {  	_ = 	snop  }
0x6: {  	_ = 	snop  }
0x7: {  	_ = 	snop  }
__scs_overlays_trampoline_lowered:
0x8: {  	[smem:$0x3FAE] =	sst s0  }
0x9: {  	[smem:$0x3FAF] =	sst s1  }
0xa: {  	[smem:$0x3FB0] =	sst s2  }
0xb: {  	[smem:$0x3FB1] =	sst s3  }
0xc: {  	[smem:$0x3FB2] =	sst s4  }
0xd: {  	[smem:$0x3FB3] =	sst s5  }
0xe: {  	[smem:$0x3FB4] =	sst s6  }
0xf: {  	[smem:$0x3FB5] =	sst s7  }
0x10: {  	[smem:$0x3FB6] =	sst s8  }
0x11: {  	[smem:$0x3FB7] =	sst s9;
	s0 =	simm.s32 @!p0 $0x0  }
0x12: {  	s1 =	sld [smem:$0x3F9D];
	s0 =	simm.s32 @p0 $0x1  }
0x13: {  	[smem:$0x3FB8] =	sst s0;
	s0 =	simm.s32 @!p1 $0x0  }
0x14: {  	s2 =	sld [smem:$0x3F9C];
	s0 =	simm.s32 @p1 $0x1  }
0x15: {  	[smem:$0x3FB9] =	sst s0;
	s0 =	simm.s32 @!p2 $0x0  }
0x16: {  	s3 =	sld [smem:$0x3FDB];
	s0 =	simm.s32 @p2 $0x1  }
0x17: {  	s4 =	simm.s32 $0x1BF5;
	[smem:$0x3FBB] =	sst s0  }
0x18: {  	s0 =	sld [smem:$0x3F9E];
	_ =	swait.ge [sflag:s4], $0x0  }
0x19: {  	s7 =	sld [smem:$0x3F9F]  }
0x1a: {  	s8 =	sadd.s32 $0xFFFFE003, lr  }
0x1b: {  	s9 =	sadd.s32 $0xFFFFFEF7, lr;
	s5 =	simm.s32 $0xFFFFFFFF;
	p2 =	slt.u32 s8, $0xFFFFF086  }
0x1c: {  	p1 =	slt.u32 s9, $0xF7A;
	s5 =	simm.s32 @!p2 $0x0  }
0x1d: {  	s5 =	simm.s32 @p1 $0x1;
	p0 =	seq.s32 s7, s2  }
0x1e: {  	s7 =	smul.u32 @!p0 $0xF7A, s2;
	p2 =	seq.s32 @!p0 s5, $0x0  }
0x1f: {  	s9 =	smul.u32 $0xF7A, s1;
	s8 =	simm.s32 @!p0 $0x1BF5;
	p2 =	por !p2, p0  }
0x20: {  	[sflag:s8] =	ssyncset.s32 @!p0 $0xFFFFF086;
	s6 =	sadd.s32 @!p0 s3, s7;
	s7 =	simm.s32 @!p0 $0x108  }
0x21: {  	s3 =	sadd.s32 s3, s9;
	s6 =	sadd.s32 @!p0 $0x88, s6;
	s7 =	simm.s32 @p2 $0x1082  }
0x22: {  	[simem:s7], [sflag:s8] =	dma.local @!p0 [hbm:s6], $0xF7A  }
0x23: {  	s9 =	sor.u32 $0xD0000000, s2;
	s6 =	simm.s32 $0x108;
	_ =	swait.ge @!p0 [sflag:s8], $0x0  }
0x24: {  	s3 =	sadd.s32 $0x88, s3;
	s6 =	simm.s32 @!p1 $0x1082;
	[sflag:s4] =	ssyncset.s32 $0xFFFFF086  }
0x25: {  	[simem:s6], [sflag:s4] =	dma.local [hbm:s3], $0xF7A  }
0x26: {  	[smem:$0x3F9F] =	sst s1;
	(tag) =	ssettag s2;
	_ =	strace s9  }
0x27: {  	s1 =	sld [smem:$0x3FAF]  }
0x28: {  	s2 =	sld [smem:$0x3FB0]  }
0x29: {  	s4 =	sld [smem:$0x3FB2]  }
0x2a: {  	p0 =	seq.s32 s5, $0x0;
	s5 =	sld [smem:$0x3FB3]  }
0x2b: {  	s6 =	sld [smem:$0x3FB4]  }
0x2c: {  	s7 =	sld [smem:$0x3FB5]  }
0x2d: {  	s3 =	simm.s32 $0x108;
	s8 =	sld [smem:$0x3FB6]  }
0x2e: {  	s3 =	simm.s32 @!p0 $0x1082;
	s9 =	sld [smem:$0x3FB7]  }
0x2f: {  	lr =	sadd.s32 s0, s3;
	s0 =	sld [smem:$0x3FAE]  }
0x30: {  	s3 =	sld [smem:$0x3FB1]  }
0x31: {  	[smem:$0x3FBA] =	sst s10  }
0x32: {  	s10 =	sld [smem:$0x3FB8];
	_ =	sdelay $0x3  }
0x33: {  	p0 =	seq.s32 s10, $0x1;
	s10 =	sld [smem:$0x3FBA];
	_ =	sdelay $0x3  }
0x34: {  	[smem:$0x3FBA] =	sst s10  }
0x35: {  	s10 =	sld [smem:$0x3FB9];
	_ =	sdelay $0x3  }
0x36: {  	p1 =	seq.s32 s10, $0x1;
	s10 =	sld [smem:$0x3FBA];
	_ =	sdelay $0x3  }
0x37: {  	[smem:$0x3FBA] =	sst s10  }
0x38: {  	s10 =	sld [smem:$0x3FBB]  }
0x39: {  	_ = 	snop;
	(pc) =	sbr.ind lr, $3  }
0x3a: {  	_ = 	snop  }
0x3b: {  	_ = 	snop  }
0x3c: {  	p2 =	seq.s32 s10, $0x1;
	s10 =	sld [smem:$0x3FBA]  }
0x3d: {  	_ =	shalt  }
0x3e: {  	_ =	shalt  }
0x3f: {  	_ =	shalt  }
0x40: {  	_ =	shalt  }
0x41: {  	_ =	shalt  }
0x42: {  	_ =	shalt  }
0x43: {  	_ =	shalt  }
0x44: {  	_ =	shalt  }
0x45: {  	_ =	shalt  }
0x46: {  	_ =	shalt  }
0x47: {  	_ =	shalt  }
0x48: {  	_ =	shalt  }
0x49: {  	_ =	shalt  }
0x4a: {  	_ =	shalt  }
0x4b: {  	_ =	shalt  }
0x4c: {  	_ =	shalt  }
0x4d: {  	_ =	shalt  }
0x4e: {  	_ =	shalt  }
0x4f: {  	_ =	shalt  }
0x50: {  	_ =	shalt  }
0x51: {  	_ =	shalt  }
0x52: {  	_ =	shalt  }
0x53: {  	_ =	shalt  }
0x54: {  	_ =	shalt  }
0x55: {  	_ =	shalt  }
0x56: {  	_ =	shalt  }
0x57: {  	_ =	shalt  }
0x58: {  	_ =	shalt  }
0x59: {  	_ =	shalt  }
0x5a: {  	_ =	shalt  }
0x5b: {  	_ =	shalt  }
0x5c: {  	_ =	shalt  }
0x5d: {  	_ =	shalt  }
0x5e: {  	_ =	shalt  }
0x5f: {  	_ =	shalt  }
0x60: {  	_ =	shalt  }
0x61: {  	_ =	shalt  }
0x62: {  	_ =	shalt  }
0x63: {  	_ =	shalt  }
0x64: {  	_ =	shalt  }
0x65: {  	_ =	shalt  }
0x66: {  	_ =	shalt  }
0x67: {  	_ =	shalt  }
0x68: {  	_ =	shalt  }
0x69: {  	_ =	shalt  }
0x6a: {  	_ =	shalt  }
0x6b: {  	_ =	shalt  }
0x6c: {  	_ =	shalt  }
0x6d: {  	_ =	shalt  }
0x6e: {  	_ =	shalt  }
0x6f: {  	_ =	shalt  }
0x70: {  	_ =	shalt  }
0x71: {  	_ =	shalt  }
0x72: {  	_ =	shalt  }
0x73: {  	_ =	shalt  }
0x74: {  	_ =	shalt  }
0x75: {  	_ =	shalt  }
0x76: {  	_ =	shalt  }
0x77: {  	_ =	shalt  }
0x78: {  	_ =	shalt  }
0x79: {  	_ =	shalt  }
0x7a: {  	_ =	shalt  }
0x7b: {  	_ =	shalt  }
0x7c: {  	_ =	shalt  }
0x7d: {  	_ =	shalt  }
0x7e: {  	_ =	shalt  }
0x7f: {  	_ =	shalt  }
0x80: {  	_ =	shalt  }
0x81: {  	_ =	shalt  }
0x82: {  	_ =	shalt  }
0x83: {  	_ =	shalt  }
0x84: {  	_ =	shalt  }
0x85: {  	_ =	shalt  }
0x86: {  	_ =	shalt  }
0x87: {  	_ =	shalt  }
.Lfunc_end0:
.L_simem_size_0:
called_computation_lowered:
.L_overlay_start_0:
0x88: {  	s2 =	sld [smem:$0x3FD9]  }
0x89: {  	s3 =	sld [smem:$0x3FFE];
	_ =	sdelay $0x1  }
0x8a: {  	s1 =	srdreg.scid  }
0x8b: {  	s0 =	sand.u32 $0x1, s1  }
0x8c: {  	s17 =	sshll.u32 s0, $0xA;
	s2 =	sadd.s32 s3, s2  }
0x8d: {  	s2 =	sadd.s32 s2, s17  }
0x8e: {  	[smem:$0x3FC6] =	sst s2  }
0x8f: {  	_ = 	snop  }
0x90: {  	s2 =	sld [smem:$0x3FD0];
	(tm) =	ssettm $0x1  }
0x91: {  	s18 =	sld [smem:$0x3FFB];
	_ =	sdelay $0x3  }
0x92: {  	_ =	strace s18  }
0x93: {  	s3 =	sld [smem:$0x3FFC];
	_ =	sdelay $0x3  }
0x94: {  	_ =	strace s3  }
0x95: {  	s3 =	sld [smem:$0x3FFD];
	_ =	sdelay $0x3  }
0x96: {  	_ =	strace s3  }
0x97: {  	_ =	strace $0x8FFFFFFF  }
0x98: {  	s19 =	sld [smem:$0x3FDB];
	_ =	sdelay $0x1  }
0x99: {  	s4 =	simm.s32 $_scs_section_size  }
0x9a: {  	s5 =	simm.s32 $_size__tile_overlayer_lowered;
	s6 =	simm.s32 $_tile_overlayer_lowered  }
0x9b: {  	s22 =	simm.s32 $0x1BFF;
	s21 =	sshll.u32 s6, $0x1;
	s3 =	sadd.s32 s4, s19  }
0x9c: {  	s7 =	simm.s32 $0x0;
	s20 =	sshll.u32 s5, $0x1;
	s5 =	sadd.s32 s21, s3  }
0x9d: {  	[timem:s7], [sflag:s22] =	dma.local [hbm:s5], s20  }
0x9e: {  	_ =	swait.ge [sflag:s22], s20  }
0x9f: {  	s4 =	ssub.s32 $0x0, s20;
	[sflag:s22] =	ssyncset.done $0x0  }
0xa0: {  	[sflag:s22] =	ssyncadd.s32 s4;
	_ =	sdelay $0x1  }
0xa1: {  	s23 =	simm.s32 $0x1B8B  }
0xa2: {  	_ =	swait.ge [sflag:s23], $0x1  }
0xa3: {  	[sflag:s23] =	ssyncset.done $0x0  }
0xa4: {  	s25 =	simm.s32 $0x1B8E;
	s24 =	sld [smem:$0x3FFE];
	[sflag:s23] =	ssyncadd.s32 $0xFFFFFFFF  }
0xa5: {  	s26 =	simm.s32 $execute0_lowered;
	[smem:$0x3FD2] =	sst s25  }
0xa6: {  	s5 =	sshll.u32 s26, $0x1;
	_ =	strace $0x80000046;
	[dreg:$0x1] =	wrdreg $0xFFFFFFFF  }
0xa7: {  	s28 =	simm.s32 $_size_execute0_lowered;
	s3 =	sadd.s32 s3, s5;
	[dreg:$0x0] =	wrdreg $0x0  }
0xa8: {  	s5 =	sshll.u32 s28, $0x1;
	[dreg:$0x2] =	wrdreg s3  }
0xa9: {  	[dreg:$0x3] =	wrdreg s5  }
0xaa: {  	[dreg:$0x4] =	wrdreg $0xC0  }
0xab: {  	_ =	task [dreg:s7], $0x5FFFF  }
0xac: {  	[dreg:$0x1] =	wrdreg $0xFFFFFFFF  }
0xad: {  	[dreg:$0x0] =	wrdreg $0x60  }
0xae: {  	[dreg:$0x2] =	wrdreg s24  }
0xaf: {  	[dreg:$0x3] =	wrdreg s2  }
0xb0: {  	[dreg:$0x4] =	wrdreg $0x9  }
0xb1: {  	_ =	task.clear_ibuf [dreg:s7], $0x5FFFF;
	_ =	strace $0x90000046  }
0xb2: {  	s29 =	simm.s32 $0x9;
	_ =	strace $0x80000048  }
0xb3: {  	_ =	swait.ge [sflag:s29], $0x1  }
0xb4: {  	[sflag:s29] =	ssyncadd.s32 $0xFFFFFFFF  }
0xb5: {  	_ =	strace $0x90000048  }
0xb6: {  	_ =	sfence  }
0xb7: {  	s30 =	sld [smem:$0x0];
	_ =	sdelay $0x2  }
0xb8: {  	s31 =	sshll.u32 s1, $0xD;
	s1 =	sshrl.u32 s1, $0x2  }
0xb9: {  	s3 =	sand.u32 $0x4000, s31;
	s1 =	sadd.s32 s1, s30  }
0xba: {  	s0 =	sor.u32 s3, s0;
	s1 =	sshll.u32 s1, $0x11  }
0xbb: {  	s0 =	sor.u32 s1, s0  }
0xbc: {  	s0 =	sadd.s32 $0x8F2B, s0  }
0xbd: {  	[sflag:s0] =	ssyncadd.remote.s32 $0x1  }
0xbe: {  	_ =	sfence.sel $0xFFFF  }
0xbf: {  	[dreg:$0x0] =	wrdreg $0xFFFFFFFF;
	(pc) =	sbr.abs _section_cstart, $3  }
0xc0: {  	[dreg:$0x1] =	wrdreg $0xFFFFFFFF  }
0xc1: {  	_ =	task.clear_ibuf [dreg:s7], $0x2FFFF;
	_ =	strace $0x9FFFFFFF  }
0xc2: {  	(tm) =	ssettm $0x7FFFFFFF  }
0xc3: {  	_ =	shalt  }
tec
execute0_lowered:
.L_overlay_start_1:
0x0: {  	(tag) =	ssettag $0x1  }
0x1: {  	s0 =	srdreg.scid;
	s2 =	stileid.u32  }
0x2: {  	s1 =	rddreg [dreg:$0x0];
	s14 =	simm.s32 $0x14400;
	s20 =	simm.s32 $0x4  }
0x3: {  	s29 =	simm.s32 $0xE400;
	s21 =	simm.s32 $0x9;
	s30 =	simm.s32 $0x10400  }
0x4: {  	s22 =	simm.s32 $0x5;
	s0 =	sand.u32 $0x1, s0;
	s3 =	sshll.u32 s2, $0x1  }
0x5: {  	s2 =	rddreg [dreg:$0x1];
	s4 =	sor.u32 s0, s3;
	s3 =	simm.s32 $0x0  }
0x6: {  	s31 =	simm.s32 $0x12400;
	s6 =	smul.u32 $0xC80, s4;
	[smem:$0x7FF] =	sst s3  }
0x7: {  	s4 =	smul.u32 $0xC8, s4;
	_ =	strace $0x80000047;
	[dreg:$0x6] =	wrdreg s29  }
0x8: {  	s23 =	simm.s32 $0x6;
	s5 =	sadd.s32 $0xF42A00, s1;
	[dreg:$0x7] =	wrdreg s30  }
0x9: {  	s0 =	ssub.s32 $0x2, s0;
	[dreg:$0x8] =	wrdreg s31;
	s25 =	sor.u32 $0x1, s4  }
0xa: {  	s7 =	sshrl.u32 s0, $0x1;
	s26 =	sor.u32 $0x2, s4;
	[dreg:$0x3] =	wrdreg s25  }
0xb: {  	s0 =	ssub.s32 s0, s7;
	s28 =	sor.u32 $0x3, s4;
	[dreg:$0x4] =	wrdreg s26  }
0xc: {  	s1 =	sadd.s32 s6, s1;
	s0 =	smax.u32 s0, $0x1;
	[dreg:$0x5] =	wrdreg s28  }
0xd: {  	s24 =	simm.s32 $0x7;
	s1 =	sadd.s32 $0x600, s1;
	[dreg:$0xa] =	wrdreg s0  }
0xe: {  	s6 =	simm.s32 $0x0;
	s25 =	simm.s32 $0x8;
	[dreg:$0x9] =	wrdreg s1  }
.LBB2_1:
0xf: {  	[dreg:$0xb] =	wrdreg s6  }
0x10: {  	s0 =	rddreg [dreg:$0x9];
	s13 =	simm.s32 $0x11  }
0x11: {  	[tilespmem:s3], [sflag:$0x11] =	stream.linear.gather [hbm4b:s0+s3], $0x6400, $0x38;
	[tilespmem:$0x16400] =	vst v63  }
0x12: {  	_ =	swait.ge [sflag:s13], $0x6400  }
0x13: {  	[sflag:s13] =	ssyncset.done $0x0  }
0x14: {  	s9 =	simm.s32 $0x80;
	s10 =	simm.s32 $0x6400;
	[sflag:s13] =	ssyncadd.s32 $0xFFFF9C00  }
0x15: {  	[tilespmem:s10], [sflag:$0x1] =	stream.indirect.gather [hbm4b:s5+s9], $0x40, s3, s9, $0xb8;
	[tilespmem:$0x16400] =	vst v63  }
0x16: {  	s11 =	simm.s32 $0x8400;
	p0 =	por $0x0, $0x0  }
0x17: {  	[tilespmem:s11], [sflag:$0x2] =	stream.indirect.gather [hbm4b:s5+s9], $0x40, s9, s9, $0xb8;
	[tilespmem:$0x16400] =	vst v63  }
0x18: {  	s15 =	simm.s32 $0x100;
	s12 =	simm.s32 $0xA400;
	p1 =	por p0, p0  }
0x19: {  	[tilespmem:s12], [sflag:$0x3] =	stream.indirect.gather [hbm4b:s5+s9], $0x40, s15, s9, $0xb8;
	[tilespmem:$0x16400] =	vst v63  }
0x1a: {  	s16 =	simm.s32 $0x180;
	s0 =	simm.s32 @p1 $0xD;
	s13 =	simm.s32 $0xC400  }
0x1b: {  	[tilespmem:s13], [sflag:$0x4] =	stream.indirect.gather [hbm4b:s5+s9], $0x40, s16, s9, $0xb8;
	[tilespmem:$0x16400] =	vst v63  }
0x1c: {  	_ =	swait.ge @p1 [sflag:s0], $0x2000  }
0x1d: {  	s1 =	simm.s32 @p0 $0x200;
	s6 =	simm.s32 @p1 $0xE;
	[sflag:s0] =	ssyncset.done @p1 $0x0  }
0x1e: {  	s7 =	simm.s32 @p1 $0xE400;
	[sflag:s0] =	ssyncadd.s32 @p1 $0xFFFFE000;
	s0 =	simm.s32 @p1 $0x80  }
0x1f: {  	[tilespmem:s7], [sflag:$0x5] =	stream.indirect.gather @p1 [hbm4b:s5+s0], $0x40, s1, s0, $0xb8;
	[tilespmem:$0x16400] =	vst v63  }
0x20: {  	_ =	swait.ge @p1 [sflag:s6], $0x2000  }
0x21: {  	s1 =	simm.s32 @p0 $0x280;
	[sflag:s6] =	ssyncset.done @p1 $0x0  }
0x22: {  	s7 =	simm.s32 @p1 $0xF;
	[sflag:s6] =	ssyncadd.s32 @p1 $0xFFFFE000;
	s6 =	simm.s32 @p1 $0x10400  }
0x23: {  	[tilespmem:s6], [sflag:$0x6] =	stream.indirect.gather @p1 [hbm4b:s5+s0], $0x40, s1, s0, $0xb8;
	[tilespmem:$0x16400] =	vst v63  }
0x24: {  	_ =	swait.ge @p1 [sflag:s7], $0x2000  }
0x25: {  	s1 =	simm.s32 @p0 $0x300;
	[sflag:s7] =	ssyncset.done @p1 $0x0  }
0x26: {  	s6 =	simm.s32 @p1 $0x12400;
	[sflag:s7] =	ssyncadd.s32 @p1 $0xFFFFE000;
	s7 =	simm.s32 @p1 $0x10  }
0x27: {  	[tilespmem:s6], [sflag:$0x7] =	stream.indirect.gather @p1 [hbm4b:s5+s0], $0x40, s1, s0, $0xb8;
	[tilespmem:$0x16400] =	vst v63  }
0x28: {  	_ =	swait.ge @p1 [sflag:s7], $0x2000  }
0x29: {  	s1 =	simm.s32 @p0 $0x0;
	s0 =	simm.s32 @!p1 $0xE400;
	[sflag:s7] =	ssyncset.done @p1 $0x0  }
0x2a: {  	s6 =	simm.s32 @!p1 $0x80;
	[sflag:s7] =	ssyncadd.s32 @p1 $0xFFFFE000;
	s7 =	simm.s32 @!p1 $0x200  }
0x2b: {  	[tilespmem:s0], [sflag:$0x5] =	stream.indirect.gather @!p1 [hbm4b:s5+s6], $0x40, s7, s6, $0xb8;
	[tilespmem:$0x16400] =	vst v63  }
0x2c: {  	s1 =	simm.s32 @!p1 $0x0;
	s0 =	simm.s32 @!p1 $0x280;
	s7 =	simm.s32 @!p1 $0x10400  }
0x2d: {  	[tilespmem:s7], [sflag:$0x6] =	stream.indirect.gather @!p1 [hbm4b:s5+s6], $0x40, s0, s6, $0xb8;
	[tilespmem:$0x16400] =	vst v63  }
0x2e: {  	s0 =	sor.u32 $0x7, s1  }
0x2f: {  	s8 =	simm.s32 @!p1 $0x300;
	s7 =	simm.s32 @!p1 $0x12400;
	s17 =	sshll.u32 s0, $0x7  }
0x30: {  	[tilespmem:s7], [sflag:$0x7] =	stream.indirect.gather @!p1 [hbm4b:s5+s6], $0x40, s8, s6, $0xb8;
	[tilespmem:$0x16400] =	vst v63  }
0x31: {  	s26 =	simm.s32 $0x1;
	s18 =	sadd.s32 s4, s1;
	s6 =	sand.u32 $0x3FFFFF80, s17  }
0x32: {  	[tilespmem:s14], [sflag:$0x8] =	stream.indirect.gather [hbm4b:s5+s9], $0x40, s6, s9, $0xb8;
	[tilespmem:$0x16400] =	vst v63  }
0x33: {  	s19 =	sshll.u32 s18, $0xA;
	_ =	swait.ge [sflag:s26], $0x2000  }
0x34: {  	s6 =	sand.u32 $0x1FFFE000, s19;
	[sflag:s26] =	ssyncset.done $0x0  }
0x35: {  	s30 =	simm.s32 $0x2;
	s6 =	sadd.s32 s2, s6;
	[sflag:s26] =	ssyncadd.s32 $0xFFFFE000  }
0x36: {  	[hbm4b:s6+s3] =	stream.linear.scatter [tilespmem:s10], [sflag:$0x9], $0x2000, $0x38;
	[tilespmem:$0x16400] =	vst v63  }
0x37: {  	_ =	swait.ge [sflag:s30], $0x2000  }
0x38: {  	s31 =	rddreg [dreg:$0x3]  }
0x39: {  	s6 =	sadd.s32 s1, s31  }
0x3a: {  	s6 =	sshll.u32 s6, $0xA  }
0x3b: {  	[sflag:s30] =	ssyncset.done $0x0;
	s6 =	sand.u32 $0x1FFFE400, s6  }
0x3c: {  	s8 =	simm.s32 $0x3;
	[sflag:s30] =	ssyncadd.s32 $0xFFFFE000;
	s6 =	sadd.s32 s2, s6  }
0x3d: {  	[hbm4b:s6+s3] =	stream.linear.scatter [tilespmem:s11], [sflag:$0xA], $0x2000, $0x38;
	[tilespmem:$0x16400] =	vst v63  }
0x3e: {  	_ =	swait.ge [sflag:s8], $0x2000  }
0x3f: {  	s9 =	rddreg [dreg:$0x4]  }
0x40: {  	s6 =	sadd.s32 s1, s9  }
0x41: {  	s6 =	sshll.u32 s6, $0xA  }
0x42: {  	[sflag:s8] =	ssyncset.done $0x0;
	s6 =	sand.u32 $0x1FFFE800, s6  }
0x43: {  	[sflag:s8] =	ssyncadd.s32 $0xFFFFE000;
	s6 =	sadd.s32 s2, s6  }
0x44: {  	[hbm4b:s6+s3] =	stream.linear.scatter [tilespmem:s12], [sflag:$0xB], $0x2000, $0x38;
	[tilespmem:$0x16400] =	vst v63  }
0x45: {  	_ =	swait.ge [sflag:s20], $0x2000  }
0x46: {  	s10 =	rddreg [dreg:$0x5]  }
0x47: {  	s1 =	sadd.s32 s1, s10  }
0x48: {  	s1 =	sshll.u32 s1, $0xA  }
0x49: {  	[sflag:s20] =	ssyncset.done $0x0;
	s1 =	sand.u32 $0x1FFFEC00, s1  }
0x4a: {  	[sflag:s20] =	ssyncadd.s32 $0xFFFFE000;
	s1 =	sadd.s32 s2, s1  }
0x4b: {  	[hbm4b:s1+s3] =	stream.linear.scatter [tilespmem:s13], [sflag:$0xC], $0x2000, $0x38;
	[tilespmem:$0x16400] =	vst v63  }
0x4c: {  	_ =	swait.ge [sflag:s21], $0x2000  }
0x4d: {  	p1 =	por $0x0, $0x0;
	[sflag:s21] =	ssyncset.done $0x0  }
0x4e: {  	s1 =	simm.s32 @p1 $0xA;
	[sflag:s21] =	ssyncadd.s32 $0xFFFFE000  }
0x4f: {  	_ =	swait.ge @p1 [sflag:s1], $0x2000  }
0x50: {  	[sflag:s1] =	ssyncset.done @p1 $0x0  }
0x51: {  	s6 =	simm.s32 @p1 $0xB;
	[sflag:s1] =	ssyncadd.s32 @p1 $0xFFFFE000  }
0x52: {  	s0 =	sadd.s32 s4, s0;
	_ =	swait.ge @p1 [sflag:s6], $0x2000  }
0x53: {  	s0 =	sshll.u32 s0, $0xA;
	s7 =	simm.s32 @!p1 $0x80;
	[sflag:s6] =	ssyncset.done @p1 $0x0  }
0x54: {  	s19 =	sand.u32 $0x1FFFFC00, s0;
	s1 =	simm.s32 @p1 $0xC;
	[sflag:s6] =	ssyncadd.s32 @p1 $0xFFFFE000  }
0x55: {  	s11 =	simm.s32 @!p1 $0x8400;
	s8 =	simm.s32 @!p1 $0x6400;
	_ =	swait.ge @p1 [sflag:s1], $0x2000  }
0x56: {  	s9 =	simm.s32 @!p1 $0xA;
	s12 =	simm.s32 @!p1 $0xC400;
	[sflag:s1] =	ssyncset.done @p1 $0x0  }
0x57: {  	s10 =	simm.s32 @!p1 $0x480;
	s6 =	simm.s32 @!p1 $0x400;
	[sflag:s1] =	ssyncadd.s32 @p1 $0xFFFFE000  }
0x58: {  	[tilespmem:s8], [sflag:$0x1] =	stream.indirect.gather @!p1 [hbm4b:s5+s7], $0x40, s6, s7, $0xb8;
	[tilespmem:$0x16400] =	vst v63  }
0x59: {  	s1 =	simm.s32 $0x1000;
	s6 =	simm.s32 @p0 $0x4;
	_ =	swait.ge @!p1 [sflag:s9], $0x2000  }
0x5a: {  	s8 =	simm.s32 @p0 $0x5;
	s6 =	simm.s32 @!p0 $0x4;
	[sflag:s9] =	ssyncset.done @!p1 $0x0  }
0x5b: {  	s8 =	simm.s32 @!p0 $0x5;
	[sflag:s9] =	ssyncadd.s32 @!p1 $0xFFFFE000;
	s9 =	simm.s32 @!p1 $0xB  }
0x5c: {  	[tilespmem:s11], [sflag:$0x2] =	stream.indirect.gather @!p1 [hbm4b:s5+s7], $0x40, s10, s7, $0xb8;
	[tilespmem:$0x16400] =	vst v63  }
0x5d: {  	s6 =	sadd.s32 s4, s6;
	s8 =	sadd.s32 s4, s8;
	_ =	swait.ge @!p1 [sflag:s9], $0x2000  }
0x5e: {  	s6 =	sshll.u32 s6, $0xA;
	s10 =	simm.s32 @!p1 $0x500;
	[sflag:s9] =	ssyncset.done @!p1 $0x0  }
0x5f: {  	s11 =	simm.s32 @!p1 $0xA400;
	s6 =	sand.u32 $0x1FFFF000, s6;
	[sflag:s9] =	ssyncadd.s32 @!p1 $0xFFFFE000  }
0x60: {  	[tilespmem:s11], [sflag:$0x3] =	stream.indirect.gather @!p1 [hbm4b:s5+s7], $0x40, s10, s7, $0xb8;
	[tilespmem:$0x16400] =	vst v63  }
0x61: {  	s6 =	sadd.s32 s2, s6;
	s9 =	simm.s32 @!p1 $0xC;
	s10 =	simm.s32 $0x6  }
0x62: {  	_ =	swait.ge @!p1 [sflag:s9], $0x2000;
	s10 =	simm.s32 @!p0 $0x6;
	p0 =	por $0x1, $0x1  }
0x63: {  	s11 =	simm.s32 @!p1 $0x580;
	[sflag:s9] =	ssyncset.done @!p1 $0x0;
	s17 =	simm.s32 @p0 $0x8  }
0x64: {  	s29 =	simm.s32 @p0 $0x600;
	s28 =	simm.s32 @p0 $0x680;
	[sflag:s9] =	ssyncadd.s32 @!p1 $0xFFFFE000  }
0x65: {  	[tilespmem:s12], [sflag:$0x4] =	stream.indirect.gather @!p1 [hbm4b:s5+s7], $0x40, s11, s7, $0xb8;
	[tilespmem:$0x16400] =	vst v63  }
0x66: {  	s26 =	simm.s32 @p0 $0x700;
	s9 =	simm.s32 @p0 $0xC;
	s11 =	sshll.u32 s8, $0xA  }
0x67: {  	s12 =	sadd.s32 s4, s10;
	s7 =	simm.s32 $0x2000;
	s9 =	simm.s32 @!p0 $0x4  }
0x68: {  	_ =	swait.ge [sflag:s22], $0x2000;
	s8 =	sshll.u32 s12, $0xA;
	s14 =	sand.u32 $0x1FFFF400, s11  }
0x69: {  	s11 =	simm.s32 $0xE;
	s12 =	simm.s32 @p0 $0xD;
	s16 =	sadd.s32 s4, s9  }
0x6a: {  	s13 =	rddreg [dreg:$0x6];
	s8 =	sand.u32 $0x1FFFF800, s8;
	[sflag:s22] =	ssyncset.done $0x0  }
0x6b: {  	s10 =	sadd.s32 s2, s14;
	s12 =	simm.s32 @!p0 $0x5;
	[sflag:s22] =	ssyncadd.s32 $0xFFFFE000  }
0x6c: {  	[hbm4b:s6+s3] =	stream.linear.scatter [tilespmem:s13], [sflag:$0xD], $0x2000, $0x38;
	[tilespmem:$0x16400] =	vst v63  }
0x6d: {  	s11 =	simm.s32 @!p0 $0x6;
	p0 =	por p0, p0;
	_ =	swait.ge [sflag:s23], $0x2000  }
0x6e: {  	s18 =	sadd.s32 s4, s12;
	s30 =	sadd.s32 s4, s11;
	[sflag:s23] =	ssyncset.done $0x0  }
0x6f: {  	s8 =	sadd.s32 s2, s8;
	s15 =	rddreg [dreg:$0x7];
	[sflag:s23] =	ssyncadd.s32 $0xFFFFE000  }
0x70: {  	[hbm4b:s10+s3] =	stream.linear.scatter [tilespmem:s15], [sflag:$0xE], $0x2000, $0x38;
	[tilespmem:$0x16400] =	vst v63  }
0x71: {  	s6 =	sshll.u32 s16, $0xA;
	s9 =	sshll.u32 s18, $0xA;
	_ =	swait.ge [sflag:s24], $0x2000  }
0x72: {  	s0 =	sshll.u32 s30, $0xA;
	s12 =	sand.u32 $0x1FFFF000, s6;
	[sflag:s24] =	ssyncset.done $0x0  }
0x73: {  	s14 =	sand.u32 $0x1FFFF400, s9;
	s31 =	rddreg [dreg:$0x8];
	[sflag:s24] =	ssyncadd.s32 $0xFFFFE000  }
0x74: {  	[hbm4b:s8+s3] =	stream.linear.scatter [tilespmem:s31], [sflag:$0xF], $0x2000, $0x38;
	[tilespmem:$0x16400] =	vst v63  }
0x75: {  	s0 =	sand.u32 $0x1FFFF800, s0;
	s6 =	simm.s32 @p0 $0xD;
	_ =	swait.ge [sflag:s25], $0x2000  }
0x76: {  	s9 =	sadd.s32 s2, s19;
	s8 =	simm.s32 $0x16;
	[sflag:s25] =	ssyncset.done $0x0  }
.LBB2_2:
0x77: {  	[sflag:s25] =	ssyncadd.s32 $0xFFFFE000;
	s19 =	simm.s32 $0x14400  }
0x78: {  	[hbm4b:s9+s3] =	stream.linear.scatter [tilespmem:s19], [sflag:$0x10], $0x2000, $0x38;
	[tilespmem:$0x16400] =	vst v63  }
0x79: {  	_ =	swait.ge @p0 [sflag:s6], $0x2000  }
0x7a: {  	s10 =	simm.s32 @p0 $0xE;
	[sflag:s6] =	ssyncset.done @p0 $0x0  }
0x7b: {  	s15 =	simm.s32 @p0 $0xE400;
	[sflag:s6] =	ssyncadd.s32 @p0 $0xFFFFE000;
	s6 =	simm.s32 @p0 $0x80  }
0x7c: {  	[tilespmem:s15], [sflag:$0x5] =	stream.indirect.gather @p0 [hbm4b:s5+s6], $0x40, s29, s6, $0xb8;
	[tilespmem:$0x16400] =	vst v63  }
0x7d: {  	_ =	swait.ge @p0 [sflag:s10], $0x2000  }
0x7e: {  	p2 =	sne.s32 s7, $0x0;
	s30 =	simm.s32 @p0 $0xF;
	[sflag:s10] =	ssyncset.done @p0 $0x0  }
0x7f: {  	s29 =	sadd.s32 @p2 $0xFFFFFFFF, s8;
	[sflag:s10] =	ssyncadd.s32 @p0 $0xFFFFE000;
	s10 =	simm.s32 @p0 $0x10400  }
0x80: {  	[tilespmem:s10], [sflag:$0x6] =	stream.indirect.gather @p0 [hbm4b:s5+s6], $0x40, s28, s6, $0xb8;
	[tilespmem:$0x16400] =	vst v63  }
0x81: {  	s29 =	simm.s32 @!p2 $0x5;
	_ =	swait.ge @p0 [sflag:s30], $0x2000  }
0x82: {  	s18 =	sadd.s32 s4, s29;
	[sflag:s30] =	ssyncset.done @p0 $0x0  }
0x83: {  	s29 =	simm.s32 @p0 $0x10;
	s28 =	simm.s32 @p0 $0x12400;
	[sflag:s30] =	ssyncadd.s32 @p0 $0xFFFFE000  }
0x84: {  	[tilespmem:s28], [sflag:$0x7] =	stream.indirect.gather @p0 [hbm4b:s5+s6], $0x40, s26, s6, $0xb8;
	[tilespmem:$0x16400] =	vst v63  }
0x85: {  	_ =	swait.ge @p0 [sflag:s29], $0x2000  }
0x86: {  	s31 =	smov.u32 s7;
	s6 =	simm.s32 @!p0 $0xE400;
	[sflag:s29] =	ssyncset.done @p0 $0x0  }
0x87: {  	s28 =	simm.s32 @!p0 $0x80;
	[sflag:s29] =	ssyncadd.s32 @p0 $0xFFFFE000;
	s29 =	simm.s32 @!p0 $0x200  }
0x88: {  	[tilespmem:s6], [sflag:$0x5] =	stream.indirect.gather @!p0 [hbm4b:s5+s28], $0x40, s29, s28, $0xb8;
	[tilespmem:$0x16400] =	vst v63  }
0x89: {  	s10 =	sshll.u32 s18, $0xA;
	s30 =	simm.s32 @!p0 $0x10400;
	s6 =	smov.u32 s17  }
0x8a: {  	s26 =	simm.s32 @!p0 $0x12400;
	s29 =	simm.s32 @!p0 $0x280;
	s6 =	simm.s32 @!p0 $0x0  }
0x8b: {  	[tilespmem:s30], [sflag:$0x6] =	stream.indirect.gather @!p0 [hbm4b:s5+s28], $0x40, s29, s28, $0xb8;
	[tilespmem:$0x16400] =	vst v63  }
0x8c: {  	s17 =	simm.s32 @!p0 $0x300;
	s29 =	sor.u32 $0x7, s6;
	s18 =	sadd.s32 s4, s6  }
0x8d: {  	[tilespmem:s26], [sflag:$0x7] =	stream.indirect.gather @!p0 [hbm4b:s5+s28], $0x40, s17, s28, $0xb8;
	[tilespmem:$0x16400] =	vst v63  }
0x8e: {  	s9 =	sshra.s32 @p2 s31, $0x2;
	s18 =	sshll.u32 s18, $0xA;
	s26 =	sshll.u32 s29, $0x7  }
0x8f: {  	s17 =	sand.u32 $0x3FFFFF80, s26;
	s26 =	sand.u32 $0x1FFFE000, s18;
	s18 =	simm.s32 $0x80  }
0x90: {  	[tilespmem:s19], [sflag:$0x8] =	stream.indirect.gather [hbm4b:s5+s18], $0x40, s17, s18, $0xb8;
	[tilespmem:$0x16400] =	vst v63  }
0x91: {  	s11 =	sadd.s32 @p2 $0xFFFFFFFA, s8;
	s13 =	sadd.s32 @p2 $0x200, s9;
	s19 =	simm.s32 $0x1  }
0x92: {  	s16 =	sadd.s32 @p2 $0x300, s9;
	s15 =	sadd.s32 @p2 $0x280, s9;
	_ =	swait.ge [sflag:s19], $0x2000  }
0x93: {  	s28 =	sadd.s32 s4, s29;
	s29 =	smov.u32 s13;
	[sflag:s19] =	ssyncset.done $0x0  }
0x94: {  	s17 =	sadd.s32 s2, s26;
	[sflag:s19] =	ssyncadd.s32 $0xFFFFE000;
	s19 =	simm.s32 $0x6400  }
0x95: {  	[hbm4b:s17+s3] =	stream.linear.scatter [tilespmem:s19], [sflag:$0x9], $0x2000, $0x38;
	[tilespmem:$0x16400] =	vst v63  }
0x96: {  	s28 =	sshll.u32 s28, $0xA;
	s26 =	smov.u32 s8;
	s19 =	simm.s32 $0x2  }
0x97: {  	s30 =	sand.u32 $0x1FFFFC00, s28;
	s26 =	simm.s32 @!p2 $0x6;
	_ =	swait.ge [sflag:s19], $0x2000  }
0x98: {  	s28 =	smov.u32 s15;
	s26 =	sadd.s32 s4, s26;
	s18 =	rddreg [dreg:$0x3]  }
0x99: {  	s26 =	sshll.u32 s26, $0xA;
	s17 =	smov.u32 s11;
	s15 =	sadd.s32 s6, s18  }
0x9a: {  	s11 =	sand.u32 $0x1FFFF800, s26;
	s26 =	smov.u32 s16;
	s13 =	sshll.u32 s15, $0xA  }
0x9b: {  	s16 =	simm.s32 $0x8400;
	[sflag:s19] =	ssyncset.done $0x0;
	s13 =	sand.u32 $0x1FFFE400, s13  }
0x9c: {  	[sflag:s19] =	ssyncadd.s32 $0xFFFFE000;
	s18 =	simm.s32 $0x3;
	s13 =	sadd.s32 s2, s13  }
0x9d: {  	[hbm4b:s13+s3] =	stream.linear.scatter [tilespmem:s16], [sflag:$0xA], $0x2000, $0x38;
	[tilespmem:$0x16400] =	vst v63  }
0x9e: {  	_ =	swait.ge [sflag:s18], $0x2000  }
0x9f: {  	s19 =	rddreg [dreg:$0x4]  }
0xa0: {  	s13 =	sadd.s32 s6, s19  }
0xa1: {  	s13 =	sshll.u32 s13, $0xA  }
0xa2: {  	[sflag:s18] =	ssyncset.done $0x0;
	s13 =	sand.u32 $0x1FFFE800, s13  }
0xa3: {  	s16 =	simm.s32 $0xA400;
	[sflag:s18] =	ssyncadd.s32 $0xFFFFE000;
	s13 =	sadd.s32 s2, s13  }
0xa4: {  	[hbm4b:s13+s3] =	stream.linear.scatter [tilespmem:s16], [sflag:$0xB], $0x2000, $0x38;
	[tilespmem:$0x16400] =	vst v63  }
0xa5: {  	_ =	swait.ge [sflag:s20], $0x2000  }
0xa6: {  	s18 =	rddreg [dreg:$0x5]  }
0xa7: {  	s6 =	sadd.s32 s6, s18  }
0xa8: {  	s6 =	sshll.u32 s6, $0xA  }
0xa9: {  	s9 =	sadd.s32 @p2 $0xFFFFFFFE, s8;
	[sflag:s20] =	ssyncset.done $0x0;
	s6 =	sand.u32 $0x1FFFEC00, s6  }
0xaa: {  	s19 =	simm.s32 $0xC400;
	[sflag:s20] =	ssyncadd.s32 $0xFFFFE000;
	s6 =	sadd.s32 s2, s6  }
0xab: {  	[hbm4b:s6+s3] =	stream.linear.scatter [tilespmem:s19], [sflag:$0xC], $0x2000, $0x38;
	[tilespmem:$0x16400] =	vst v63  }
0xac: {  	s9 =	simm.s32 @!p2 $0x4;
	_ =	swait.ge [sflag:s21], $0x2000  }
0xad: {  	p0 =	por p2, p2;
	p2 =	seq.s32 s1, $0x18000;
	[sflag:s21] =	ssyncset.done $0x0  }
0xae: {  	s6 =	simm.s32 @p2 $0xA;
	[sflag:s21] =	ssyncadd.s32 $0xFFFFE000  }
0xaf: {  	_ =	swait.ge @p2 [sflag:s6], $0x2000  }
0xb0: {  	[sflag:s6] =	ssyncset.done @p2 $0x0  }
0xb1: {  	s19 =	simm.s32 @p2 $0xB;
	[sflag:s6] =	ssyncadd.s32 @p2 $0xFFFFE000  }
0xb2: {  	s1 =	sshra.s32 @!p2 s1, $0x2;
	_ =	swait.ge @p2 [sflag:s19], $0x2000  }
0xb3: {  	s15 =	sadd.s32 @!p2 $0x480, s1;
	[sflag:s19] =	ssyncset.done @p2 $0x0  }
0xb4: {  	s13 =	sadd.s32 @!p2 $0x400, s1;
	s6 =	simm.s32 @p2 $0xC;
	[sflag:s19] =	ssyncadd.s32 @p2 $0xFFFFE000  }
0xb5: {  	s16 =	sadd.s32 @!p2 $0x500, s1;
	s18 =	sadd.s32 @!p2 $0x580, s1;
	_ =	swait.ge @p2 [sflag:s6], $0x2000  }
0xb6: {  	s1 =	smov.u32 s31;
	s31 =	simm.s32 @!p2 $0x6400;
	[sflag:s6] =	ssyncset.done @p2 $0x0  }
0xb7: {  	s19 =	simm.s32 @!p2 $0x80;
	[sflag:s6] =	ssyncadd.s32 @p2 $0xFFFFE000;
	s6 =	simm.s32 @!p2 $0xA  }
0xb8: {  	[tilespmem:s31], [sflag:$0x1] =	stream.indirect.gather @!p2 [hbm4b:s5+s19], $0x40, s13, s19, $0xb8;
	[tilespmem:$0x16400] =	vst v63  }
0xb9: {  	_ =	swait.ge @!p2 [sflag:s6], $0x2000  }
0xba: {  	[sflag:s6] =	ssyncset.done @!p2 $0x0  }
0xbb: {  	s13 =	simm.s32 @!p2 $0x8400;
	[sflag:s6] =	ssyncadd.s32 @!p2 $0xFFFFE000;
	s6 =	simm.s32 @!p2 $0xB  }
0xbc: {  	[tilespmem:s13], [sflag:$0x2] =	stream.indirect.gather @!p2 [hbm4b:s5+s19], $0x40, s15, s19, $0xb8;
	[tilespmem:$0x16400] =	vst v63  }
0xbd: {  	_ =	swait.ge @!p2 [sflag:s6], $0x2000  }
0xbe: {  	[sflag:s6] =	ssyncset.done @!p2 $0x0  }
0xbf: {  	s13 =	simm.s32 @!p2 $0xA400;
	[sflag:s6] =	ssyncadd.s32 @!p2 $0xFFFFE000;
	s6 =	simm.s32 @!p2 $0xC  }
0xc0: {  	[tilespmem:s13], [sflag:$0x3] =	stream.indirect.gather @!p2 [hbm4b:s5+s19], $0x40, s16, s19, $0xb8;
	[tilespmem:$0x16400] =	vst v63  }
0xc1: {  	_ =	swait.ge @!p2 [sflag:s6], $0x2000  }
0xc2: {  	[sflag:s6] =	ssyncset.done @!p2 $0x0  }
0xc3: {  	s13 =	simm.s32 @!p2 $0xC400;
	[sflag:s6] =	ssyncadd.s32 @!p2 $0xFFFFE000  }
0xc4: {  	[tilespmem:s13], [sflag:$0x4] =	stream.indirect.gather @!p2 [hbm4b:s5+s19], $0x40, s18, s19, $0xb8;
	[tilespmem:$0x16400] =	vst v63  }
0xc5: {  	_ =	swait.ge [sflag:s22], $0x2000  }
0xc6: {  	s9 =	sadd.s32 s4, s9;
	[sflag:s22] =	ssyncset.done $0x0  }
0xc7: {  	s15 =	sadd.s32 s2, s12;
	s13 =	rddreg [dreg:$0x6];
	[sflag:s22] =	ssyncadd.s32 $0xFFFFE000  }
0xc8: {  	[hbm4b:s15+s3] =	stream.linear.scatter [tilespmem:s13], [sflag:$0xD], $0x2000, $0x38;
	[tilespmem:$0x16400] =	vst v63  }
0xc9: {  	s7 =	sadd.s32 $0x1000, s7;
	s9 =	sshll.u32 s9, $0xA;
	_ =	swait.ge [sflag:s23], $0x2000  }
0xca: {  	p1 =	sne.s32 s7, $0x19000;
	s9 =	sand.u32 $0x1FFFF000, s9;
	[sflag:s23] =	ssyncset.done $0x0  }
0xcb: {  	s18 =	sadd.s32 s2, s14;
	s16 =	rddreg [dreg:$0x7];
	[sflag:s23] =	ssyncadd.s32 $0xFFFFE000  }
0xcc: {  	[hbm4b:s18+s3] =	stream.linear.scatter [tilespmem:s16], [sflag:$0xE], $0x2000, $0x38;
	[tilespmem:$0x16400] =	vst v63  }
0xcd: {  	s10 =	sand.u32 $0x1FFFF400, s10;
	s8 =	sadd.s32 $0x8, s8;
	_ =	swait.ge [sflag:s24], $0x2000  }
.Ltmp0:
0xce: {  	s31 =	sadd.s32 s2, s0;
	[sflag:s24] =	ssyncset.done $0x0;
	(pc) =	sbr.rel @p1 .LBB2_2-.Ltmp0, $4  }
0xcf: {  	s0 =	smov.u32 s11;
	s19 =	rddreg [dreg:$0x8];
	[sflag:s24] =	ssyncadd.s32 $0xFFFFE000  }
0xd0: {  	[hbm4b:s31+s3] =	stream.linear.scatter [tilespmem:s19], [sflag:$0xF], $0x2000, $0x38;
	[tilespmem:$0x16400] =	vst v63  }
0xd1: {  	s12 =	smov.u32 s9;
	s9 =	sadd.s32 s2, s30;
	_ =	swait.ge [sflag:s25], $0x2000  }
0xd2: {  	s6 =	simm.s32 @p0 $0xD;
	s14 =	smov.u32 s10;
	[sflag:s25] =	ssyncset.done $0x0  }
0xd3: {  	[sflag:s25] =	ssyncadd.s32 $0xFFFFE000;
	s10 =	simm.s32 $0x14400  }
0xd4: {  	[hbm4b:s9+s3] =	stream.linear.scatter [tilespmem:s10], [sflag:$0x10], $0x2000, $0x38;
	[tilespmem:$0x16400] =	vst v63  }
0xd5: {  	_ =	swait.ge @p0 [sflag:s6], $0x2000  }
0xd6: {  	[sflag:s6] =	ssyncset.done @p0 $0x0  }
0xd7: {  	s7 =	simm.s32 @p0 $0xE400;
	[sflag:s6] =	ssyncadd.s32 @p0 $0xFFFFE000;
	s6 =	simm.s32 @p0 $0x80  }
0xd8: {  	[tilespmem:s7], [sflag:$0x5] =	stream.indirect.gather @p0 [hbm4b:s5+s6], $0x40, s29, s6, $0xb8;
	[tilespmem:$0x16400] =	vst v63  }
0xd9: {  	s7 =	simm.s32 @p0 $0xE  }
0xda: {  	_ =	swait.ge @p0 [sflag:s7], $0x2000  }
0xdb: {  	[sflag:s7] =	ssyncset.done @p0 $0x0  }
0xdc: {  	[sflag:s7] =	ssyncadd.s32 @p0 $0xFFFFE000;
	s7 =	simm.s32 @p0 $0x10400  }
0xdd: {  	[tilespmem:s7], [sflag:$0x6] =	stream.indirect.gather @p0 [hbm4b:s5+s6], $0x40, s28, s6, $0xb8;
	[tilespmem:$0x16400] =	vst v63  }
0xde: {  	s7 =	simm.s32 @p0 $0xF  }
0xdf: {  	_ =	swait.ge @p0 [sflag:s7], $0x2000  }
0xe0: {  	[sflag:s7] =	ssyncset.done @p0 $0x0  }
0xe1: {  	[sflag:s7] =	ssyncadd.s32 @p0 $0xFFFFE000;
	s7 =	simm.s32 @p0 $0x12400  }
0xe2: {  	[tilespmem:s7], [sflag:$0x7] =	stream.indirect.gather @p0 [hbm4b:s5+s6], $0x40, s26, s6, $0xb8;
	[tilespmem:$0x16400] =	vst v63  }
0xe3: {  	s6 =	simm.s32 @p0 $0x10  }
0xe4: {  	_ =	swait.ge @p0 [sflag:s6], $0x2000  }
0xe5: {  	s8 =	simm.s32 @!p0 $0x200;
	[sflag:s6] =	ssyncset.done @p0 $0x0  }
0xe6: {  	s7 =	simm.s32 @!p0 $0xE400;
	[sflag:s6] =	ssyncadd.s32 @p0 $0xFFFFE000;
	s6 =	simm.s32 @!p0 $0x80  }
0xe7: {  	[tilespmem:s7], [sflag:$0x5] =	stream.indirect.gather @!p0 [hbm4b:s5+s6], $0x40, s8, s6, $0xb8;
	[tilespmem:$0x16400] =	vst v63  }
0xe8: {  	s7 =	simm.s32 @!p0 $0x280;
	s8 =	simm.s32 @!p0 $0x10400  }
0xe9: {  	[tilespmem:s8], [sflag:$0x6] =	stream.indirect.gather @!p0 [hbm4b:s5+s6], $0x40, s7, s6, $0xb8;
	[tilespmem:$0x16400] =	vst v63  }
0xea: {  	s17 =	simm.s32 @!p0 $0x0;
	s7 =	simm.s32 @!p0 $0x12400;
	s8 =	simm.s32 @!p0 $0x300  }
0xeb: {  	[tilespmem:s7], [sflag:$0x7] =	stream.indirect.gather @!p0 [hbm4b:s5+s6], $0x40, s8, s6, $0xb8;
	[tilespmem:$0x16400] =	vst v63  }
0xec: {  	s7 =	sor.u32 $0x7, s17  }
0xed: {  	s13 =	simm.s32 $0x80;
	s9 =	sshll.u32 s7, $0x7  }
0xee: {  	s16 =	simm.s32 $0x1;
	s11 =	sadd.s32 s4, s17;
	s6 =	sand.u32 $0x3FFFFF80, s9  }
0xef: {  	[tilespmem:s10], [sflag:$0x8] =	stream.indirect.gather [hbm4b:s5+s13], $0x40, s6, s13, $0xb8;
	[tilespmem:$0x16400] =	vst v63  }
0xf0: {  	s15 =	sshll.u32 s11, $0xA;
	_ =	swait.ge [sflag:s16], $0x2000  }
0xf1: {  	s18 =	simm.s32 $0x6400;
	s6 =	sand.u32 $0x1FFFE000, s15;
	[sflag:s16] =	ssyncset.done $0x0  }
0xf2: {  	s19 =	simm.s32 $0x2;
	s6 =	sadd.s32 s2, s6;
	[sflag:s16] =	ssyncadd.s32 $0xFFFFE000  }
0xf3: {  	[hbm4b:s6+s3] =	stream.linear.scatter [tilespmem:s18], [sflag:$0x9], $0x2000, $0x38;
	[tilespmem:$0x16400] =	vst v63  }
0xf4: {  	_ =	swait.ge [sflag:s19], $0x2000  }
0xf5: {  	s26 =	rddreg [dreg:$0x3]  }
0xf6: {  	s6 =	sadd.s32 s17, s26  }
0xf7: {  	s6 =	sshll.u32 s6, $0xA  }
0xf8: {  	s29 =	simm.s32 $0x3;
	[sflag:s19] =	ssyncset.done $0x0;
	s6 =	sand.u32 $0x1FFFE400, s6  }
0xf9: {  	s28 =	simm.s32 $0x8400;
	[sflag:s19] =	ssyncadd.s32 $0xFFFFE000;
	s6 =	sadd.s32 s2, s6  }
0xfa: {  	[hbm4b:s6+s3] =	stream.linear.scatter [tilespmem:s28], [sflag:$0xA], $0x2000, $0x38;
	[tilespmem:$0x16400] =	vst v63  }
0xfb: {  	_ =	swait.ge [sflag:s29], $0x2000  }
0xfc: {  	s30 =	rddreg [dreg:$0x4]  }
0xfd: {  	s6 =	sadd.s32 s17, s30  }
0xfe: {  	s6 =	sshll.u32 s6, $0xA  }
0xff: {  	[sflag:s29] =	ssyncset.done $0x0;
	s6 =	sand.u32 $0x1FFFE800, s6  }
0x100: {  	s31 =	simm.s32 $0xA400;
	[sflag:s29] =	ssyncadd.s32 $0xFFFFE000;
	s6 =	sadd.s32 s2, s6  }
0x101: {  	[hbm4b:s6+s3] =	stream.linear.scatter [tilespmem:s31], [sflag:$0xB], $0x2000, $0x38;
	[tilespmem:$0x16400] =	vst v63  }
0x102: {  	_ =	swait.ge [sflag:s20], $0x2000  }
0x103: {  	s8 =	rddreg [dreg:$0x5]  }
0x104: {  	s6 =	sadd.s32 s17, s8  }
0x105: {  	s6 =	sshll.u32 s6, $0xA  }
0x106: {  	[sflag:s20] =	ssyncset.done $0x0;
	s6 =	sand.u32 $0x1FFFEC00, s6  }
0x107: {  	s9 =	simm.s32 $0xC400;
	[sflag:s20] =	ssyncadd.s32 $0xFFFFE000;
	s6 =	sadd.s32 s2, s6  }
0x108: {  	[hbm4b:s6+s3] =	stream.linear.scatter [tilespmem:s9], [sflag:$0xC], $0x2000, $0x38;
	[tilespmem:$0x16400] =	vst v63  }
0x109: {  	_ =	swait.ge [sflag:s21], $0x2000  }
0x10a: {  	p0 =	seq.s32 s1, $0x18000;
	[sflag:s21] =	ssyncset.done $0x0  }
0x10b: {  	s6 =	simm.s32 @p0 $0xA;
	[sflag:s21] =	ssyncadd.s32 $0xFFFFE000  }
0x10c: {  	_ =	swait.ge @p0 [sflag:s6], $0x2000  }
0x10d: {  	[sflag:s6] =	ssyncset.done @p0 $0x0  }
0x10e: {  	s8 =	simm.s32 @p0 $0xB;
	[sflag:s6] =	ssyncadd.s32 @p0 $0xFFFFE000  }
0x10f: {  	_ =	swait.ge @p0 [sflag:s8], $0x2000  }
0x110: {  	[sflag:s8] =	ssyncset.done @p0 $0x0  }
0x111: {  	s6 =	simm.s32 @p0 $0xC;
	[sflag:s8] =	ssyncadd.s32 @p0 $0xFFFFE000  }
0x112: {  	_ =	swait.ge @p0 [sflag:s6], $0x2000  }
0x113: {  	s1 =	sshra.s32 @!p0 s1, $0x2;
	s9 =	simm.s32 @!p0 $0x80;
	[sflag:s6] =	ssyncset.done @p0 $0x0  }
0x114: {  	s8 =	sadd.s32 @!p0 $0x400, s1;
	[sflag:s6] =	ssyncadd.s32 @p0 $0xFFFFE000;
	s6 =	simm.s32 @!p0 $0x6400  }
0x115: {  	[tilespmem:s6], [sflag:$0x1] =	stream.indirect.gather @!p0 [hbm4b:s5+s9], $0x40, s8, s9, $0xb8;
	[tilespmem:$0x16400] =	vst v63  }
0x116: {  	s6 =	simm.s32 @!p0 $0xA  }
0x117: {  	_ =	swait.ge @!p0 [sflag:s6], $0x2000  }
0x118: {  	[sflag:s6] =	ssyncset.done @!p0 $0x0  }
0x119: {  	s8 =	sadd.s32 @!p0 $0x480, s1;
	[sflag:s6] =	ssyncadd.s32 @!p0 $0xFFFFE000;
	s6 =	simm.s32 @!p0 $0x8400  }
0x11a: {  	[tilespmem:s6], [sflag:$0x2] =	stream.indirect.gather @!p0 [hbm4b:s5+s9], $0x40, s8, s9, $0xb8;
	[tilespmem:$0x16400] =	vst v63  }
0x11b: {  	s6 =	simm.s32 @!p0 $0xB  }
0x11c: {  	_ =	swait.ge @!p0 [sflag:s6], $0x2000  }
0x11d: {  	[sflag:s6] =	ssyncset.done @!p0 $0x0  }
0x11e: {  	s8 =	sadd.s32 @!p0 $0x500, s1;
	[sflag:s6] =	ssyncadd.s32 @!p0 $0xFFFFE000;
	s6 =	simm.s32 @!p0 $0xA400  }
0x11f: {  	[tilespmem:s6], [sflag:$0x3] =	stream.indirect.gather @!p0 [hbm4b:s5+s9], $0x40, s8, s9, $0xb8;
	[tilespmem:$0x16400] =	vst v63  }
0x120: {  	s6 =	simm.s32 @!p0 $0xC  }
0x121: {  	_ =	swait.ge @!p0 [sflag:s6], $0x2000  }
0x122: {  	[sflag:s6] =	ssyncset.done @!p0 $0x0  }
0x123: {  	s1 =	sadd.s32 @!p0 $0x580, s1;
	[sflag:s6] =	ssyncadd.s32 @!p0 $0xFFFFE000;
	s6 =	simm.s32 @!p0 $0xC400  }
0x124: {  	[tilespmem:s6], [sflag:$0x4] =	stream.indirect.gather @!p0 [hbm4b:s5+s9], $0x40, s1, s9, $0xb8;
	[tilespmem:$0x16400] =	vst v63  }
0x125: {  	_ =	swait.ge [sflag:s22], $0x2000  }
0x126: {  	[sflag:s22] =	ssyncset.done $0x0  }
0x127: {  	s13 =	sadd.s32 s2, s12;
	s11 =	rddreg [dreg:$0x6];
	[sflag:s22] =	ssyncadd.s32 $0xFFFFE000  }
0x128: {  	[hbm4b:s13+s3] =	stream.linear.scatter [tilespmem:s11], [sflag:$0xD], $0x2000, $0x38;
	[tilespmem:$0x16400] =	vst v63  }
0x129: {  	_ =	swait.ge [sflag:s23], $0x2000  }
0x12a: {  	[sflag:s23] =	ssyncset.done $0x0  }
0x12b: {  	s16 =	sadd.s32 s2, s14;
	s15 =	rddreg [dreg:$0x7];
	[sflag:s23] =	ssyncadd.s32 $0xFFFFE000  }
0x12c: {  	[hbm4b:s16+s3] =	stream.linear.scatter [tilespmem:s15], [sflag:$0xE], $0x2000, $0x38;
	[tilespmem:$0x16400] =	vst v63  }
0x12d: {  	_ =	swait.ge [sflag:s24], $0x2000  }
0x12e: {  	s0 =	sadd.s32 s2, s0;
	[sflag:s24] =	ssyncset.done $0x0  }
0x12f: {  	s18 =	sadd.s32 s4, s7;
	s17 =	rddreg [dreg:$0x8];
	[sflag:s24] =	ssyncadd.s32 $0xFFFFE000  }
0x130: {  	[hbm4b:s0+s3] =	stream.linear.scatter [tilespmem:s17], [sflag:$0xF], $0x2000, $0x38;
	[tilespmem:$0x16400] =	vst v63  }
0x131: {  	s0 =	sshll.u32 s18, $0xA;
	_ =	swait.ge [sflag:s25], $0x2000  }
0x132: {  	s0 =	sand.u32 $0x1FFFFC00, s0;
	[sflag:s25] =	ssyncset.done $0x0  }
0x133: {  	s19 =	simm.s32 $0xD;
	s0 =	sadd.s32 s2, s0;
	[sflag:s25] =	ssyncadd.s32 $0xFFFFE000  }
0x134: {  	[hbm4b:s0+s3] =	stream.linear.scatter [tilespmem:s10], [sflag:$0x10], $0x2000, $0x38;
	[tilespmem:$0x16400] =	vst v63  }
0x135: {  	_ =	swait.ge [sflag:s19], $0x2000  }
0x136: {  	[sflag:s19] =	ssyncset.done $0x0  }
0x137: {  	s26 =	simm.s32 $0xE;
	[sflag:s19] =	ssyncadd.s32 $0xFFFFE000  }
0x138: {  	_ =	swait.ge [sflag:s26], $0x2000  }
0x139: {  	[sflag:s26] =	ssyncset.done $0x0  }
0x13a: {  	s28 =	simm.s32 $0xF;
	[sflag:s26] =	ssyncadd.s32 $0xFFFFE000  }
0x13b: {  	_ =	swait.ge [sflag:s28], $0x2000  }
0x13c: {  	[sflag:s28] =	ssyncset.done $0x0  }
0x13d: {  	s29 =	simm.s32 $0x10;
	[sflag:s28] =	ssyncadd.s32 $0xFFFFE000  }
0x13e: {  	_ =	swait.ge [sflag:s29], $0x2000  }
0x13f: {  	s30 =	rddreg [dreg:$0xb]  }
0x140: {  	s31 =	rddreg [dreg:$0xa];
	s6 =	sadd.s32 $0x1, s30  }
0x141: {  	p0 =	sne.s32 s6, s31  }
.Ltmp1:
0x142: {  	_ = 	snop;
	(pc) =	sbr.rel @p0 .LBB2_1-.Ltmp1, $3  }
0x143: {  	_ =	sdelay $0x1  }
0x144: {  	[sflag:s29] =	ssyncset.done $0x0  }
0x145: {  	s14 =	simm.s32 $0x14400;
	[sflag:s29] =	ssyncadd.s32 $0xFFFFE000  }
0x146: {  	_ =	sfence.sel $0x180000  }
0x147: {  	[bflag:$0x0] =	sbarrier.arrive $0xFFFF  }
0x148: {  	_ =	strace $0x90000047  }
0x149: {  	s0 =	stileid.u32;
	[bflag:$0x2] =	sbarrier.arrive $0xFFFF  }
0x14a: {  	p0 =	sne.s32 s0, $0x0;
	s0 =	rddreg [dreg:$0x2]  }
0x14b: {  	s0 =	sadd.s32 @!p0 $0x100000, s0  }
0x14c: {  	[sflag:s0] =	ssyncadd.tile.s32 @!p0 $0x1;
	_ =	shalt  }
.Lfunc_end2:
_tile_overlayer_lowered:
.L_overlay_start_2:
0x14d: {  	(tag) =	ssettag $0x2  }
0x14e: {  	s0 =	rddreg [dreg:$0x0];
	s2 =	stileid.u32  }
0x14f: {  	s1 =	rddreg [dreg:$0x1];
	p0 =	sne.s32 s2, $0x0  }
0x150: {  	s3 =	rddreg [dreg:$0x2];
	[bflag:$0x3] =	sbarrier.arrive $0xFFFF;
	s2 =	simm.s32 @!p0 $0x1C11  }
0x151: {  	[timem:s3], [sflag:s2] =	dma.local @!p0 [hbm:s0], s1  }
0x152: {  	s0 =	simm.s32 @!p0 $0x11  }
0x153: {  	_ =	swait.ge @!p0 [sflag:s0], s1  }
0x154: {  	s1 =	ssub.s32 @!p0 $0x0, s1;
	[sflag:s0] =	ssyncset.done @!p0 $0x0  }
0x155: {  	[sflag:s0] =	ssyncadd.s32 @!p0 s1  }
0x156: {  	[bflag:$0x3] =	sbarrier.arrive $0xFFFF  }
0x157: {  	_ =	shalt  }

</sc_bundles>
